<compile_context>
chip_gen: v7x
topology: tpu7x:2x2x1
jax: 0.10.2.dev20260603
libtpu: 0.0.44.dev20260713+nightly
codegen_flags: <defaults>
</compile_context>

<pallas_src>
import functools

import jax
import jax.numpy as jnp
from jax import lax
from jax.experimental import pallas as pl
from jax.experimental.pallas import tpu as pltpu
from jax.experimental.pallas import tpu_sc as plsc

N = 10000
E = 320000
H = 128
EPS = 1e-5

NC = 2
NS = 16
NT = NC * NS
CH = 128
NSUB = 80
HALF = NSUB // 2
EPT = NSUB * CH
EPAD = NT * EPT
NA = N + 16
RPS = 624



def _sc_scatter_body(src_hbm, dst_hbm, table_hbm, zeros_hbm, out_hbm,
                     src_v, dst_v, rows0, rows1, acc_sh, sem0, sem1,
                     ssem0, ssem1):
    c = lax.axis_index("c")
    s = lax.axis_index("s")
    t = c * NS + s

    pltpu.sync_copy(zeros_hbm.at[pl.ds(s * RPS, RPS)],
                    acc_sh.at[pl.ds(s * RPS, RPS)])

    @pl.when(s == NS - 1)
    def _init_tail():
        pltpu.sync_copy(zeros_hbm.at[pl.ds(NS * RPS, NA - NS * RPS)],
                        acc_sh.at[pl.ds(NS * RPS, NA - NS * RPS)])

    plsc.subcore_barrier()

    for h in range(2):
        base = t * NSUB + h * HALF
        pltpu.sync_copy(src_hbm.at[pl.ds(base, HALF)], src_v)
        pltpu.sync_copy(dst_hbm.at[pl.ds(base, HALF)], dst_v)

        @pl.loop(0, HALF, step=4)
        def _chunk(j):
            def gat(k, buf, sem):
                return pltpu.async_copy(table_hbm.at[src_v.at[k]], buf, sem)

            def sca(k, buf, sem):
                return pltpu.async_copy(buf, acc_sh.at[dst_v.at[k]], sem,
                                        add=True)

            g0 = gat(j, rows0, sem0)
            g1 = gat(j + 1, rows1, sem1)
            g0.wait()
            s0 = sca(j, rows0, ssem0)
            g1.wait()
            s1 = sca(j + 1, rows1, ssem1)
            s0.wait()
            g2 = gat(j + 2, rows0, sem0)
            s1.wait()
            g3 = gat(j + 3, rows1, sem1)
            g2.wait()
            s2 = sca(j + 2, rows0, ssem0)
            g3.wait()
            s3 = sca(j + 3, rows1, ssem1)
            s2.wait()
            s3.wait()

    plsc.subcore_barrier()
    pltpu.sync_copy(acc_sh.at[pl.ds(s * RPS, RPS)],
                    out_hbm.at[c, pl.ds(s * RPS, RPS)])

    @pl.when(s == NS - 1)
    def _out_tail():
        pltpu.sync_copy(acc_sh.at[pl.ds(NS * RPS, N - NS * RPS)],
                        out_hbm.at[c, pl.ds(NS * RPS, N - NS * RPS)])


_sc_scatter = functools.partial(
    pl.kernel,
    out_type=jax.ShapeDtypeStruct((NC, N, H), jnp.float32),
    mesh=plsc.VectorSubcoreMesh(core_axis_name="c", subcore_axis_name="s"),
    scratch_types=[
        pltpu.VMEM((HALF, CH), jnp.int32),
        pltpu.VMEM((HALF, CH), jnp.int32),
        pltpu.VMEM((CH, H), jnp.float32),
        pltpu.VMEM((CH, H), jnp.float32),
        pltpu.VMEM_SHARED((NA, H), jnp.float32),
        pltpu.SemaphoreType.DMA,
        pltpu.SemaphoreType.DMA,
        pltpu.SemaphoreType.DMA,
        pltpu.SemaphoreType.DMA,
    ],
)(_sc_scatter_body)



def _style(h0, wv, W, b, aW, ab, ns, noise):
    h = jnp.dot(h0, W, preferred_element_type=jnp.float32) + b
    h = h + noise * ns
    sty = jnp.dot(wv, aW, preferred_element_type=jnp.float32) + ab
    gamma = sty[:, :H]
    beta = sty[:, H:]
    mu = jnp.mean(h, axis=0, keepdims=True)
    var = jnp.mean((h - mu) ** 2, axis=0, keepdims=True)
    xn = (h - mu) / jnp.sqrt(var + EPS)
    o = gamma * xn + beta
    return jnp.where(o >= 0, o, 0.01 * o)


def _xn_body(x_ref, w_ref, nm_W_ref, nm_b_ref, nm_aW_ref, nm_ab_ref,
             nm_ns_ref, nm_noise_ref, cat2_W_ref, cat2_b_ref, out_ref):
    xn = _style(x_ref[...], w_ref[...], nm_W_ref[...], nm_b_ref[...],
                nm_aW_ref[...], nm_ab_ref[...], nm_ns_ref[...],
                nm_noise_ref[...])
    out_ref[...] = xn + jnp.dot(xn, cat2_W_ref[...],
                                preferred_element_type=jnp.float32) + cat2_b_ref[...]


def _dense_body(parts_ref, xn2_ref, w_ref, edge_b_ref, cat1_W_ref, cat1_b_ref,
                f1_W_ref, f1_b_ref, f1_aW_ref, f1_ab_ref, f1_ns_ref, f1_noise_ref,
                f2_W_ref, f2_b_ref, f2_aW_ref, f2_ab_ref, f2_ns_ref, f2_noise_ref,
                out_ref):
    wv = w_ref[...]
    agg = parts_ref[0] + parts_ref[1] + edge_b_ref[...]
    out = agg + jnp.dot(agg, cat1_W_ref[...],
                        preferred_element_type=jnp.float32) + cat1_b_ref[...]
    out = jnp.maximum(out + xn2_ref[...], 0.0)
    out = _style(out, wv, f1_W_ref[...], f1_b_ref[...], f1_aW_ref[...],
                 f1_ab_ref[...], f1_ns_ref[...], f1_noise_ref[...])
    out = _style(out, wv, f2_W_ref[...], f2_b_ref[...], f2_aW_ref[...],
                 f2_ab_ref[...], f2_ns_ref[...], f2_noise_ref[...])
    out_ref[...] = out


def _dense(parts, x, w, edge_b, cat1_W, cat1_b, cat2_W, cat2_b,
           nm_W, nm_b, nm_aW, nm_ab, nm_ns, nm_noise,
           f1_W, f1_b, f1_aW, f1_ab, f1_ns, f1_noise,
           f2_W, f2_b, f2_aW, f2_ab, f2_ns, f2_noise):
    r2 = lambda v: v.reshape(1, -1)
    xn2 = pl.pallas_call(
        _xn_body,
        out_shape=jax.ShapeDtypeStruct((N, H), jnp.float32),
    )(x, w, nm_W, r2(nm_b), nm_aW, r2(nm_ab), r2(nm_ns), nm_noise,
      cat2_W, r2(cat2_b))
    return pl.pallas_call(
        _dense_body,
        out_shape=jax.ShapeDtypeStruct((N, H), jnp.float32),
    )(parts, xn2, w, r2(edge_b), cat1_W, r2(cat1_b),
      f1_W, r2(f1_b), f1_aW, r2(f1_ab), r2(f1_ns), f1_noise,
      f2_W, r2(f2_b), f2_aW, r2(f2_ab), r2(f2_ns), f2_noise)


def kernel(x, edge_index, w, edge_W, edge_b, cat1_W, cat1_b, cat2_W, cat2_b,
           nm_W, nm_b, nm_aW, nm_ab, nm_ns, nm_noise,
           f1_W, f1_b, f1_aW, f1_ab, f1_ns, f1_noise,
           f2_W, f2_b, f2_aW, f2_ab, f2_ns, f2_noise):
    src = edge_index[0]
    dst = edge_index[1]
    npad = EPAD - E
    ar = jnp.arange(npad, dtype=jnp.int32)
    src_p = jnp.concatenate([src, (ar * 131) % N]).reshape(NT * NSUB, CH)
    dst_p = jnp.concatenate([dst, N + (ar % 16)]).reshape(NT * NSUB, CH)
    zeros = jnp.zeros((NA, H), jnp.float32)
    parts = _sc_scatter(src_p, dst_p, edge_W, zeros)
    return _dense(parts, x, w, edge_b, cat1_W, cat1_b, cat2_W, cat2_b,
                  nm_W, nm_b, nm_aW, nm_ab, nm_ns, nm_noise,
                  f1_W, f1_b, f1_aW, f1_ab, f1_ns, f1_noise,
                  f2_W, f2_b, f2_aW, f2_ab, f2_ns, f2_noise)

# --- scband reference (transcript-rebuilt; emitter-appended) ---
"""Pipeline reference for scband-style-linkx-31774168056059 (READ-ONLY COPY).

The authoritative reference and input builder live on the scoring server;
editing this copy changes nothing except your own understanding.
"""

import jax, jax.numpy as jnp
import numpy as np

N = 10000
E = 320000
D = 128
H = 128
WD = 128
EPS = 1e-5


def _style_layer(x, w, W, b, aW, ab, ns, noise):
    # StyleLinearLayer: linear -> additive noise*strength -> AdaptivePointNorm -> LeakyReLU(0.01)
    x = x @ W + b
    x = x + noise * ns
    style = w @ aW + ab  # [1, 2C]
    gamma, beta = jnp.split(style, 2, axis=1)
    mu = jnp.mean(x, axis=0, keepdims=True)
    var = jnp.var(x, axis=0, keepdims=True)
    xn = (x - mu) / jnp.sqrt(var + EPS)  # InstanceNorm over node dim, no affine
    out = gamma * xn + beta
    return jnp.where(out >= 0, out, 0.01 * out)


def _adain_bias(c):
    # affine bias init: first half ones (gamma), second half zeros (beta)
    return jnp.concatenate([jnp.ones((c,), jnp.float32), jnp.zeros((c,), jnp.float32)])


def setup_inputs(seed: int = 0) -> dict:
    key = jax.random.key(seed)
    ks = jax.random.split(key, 16)
    inp = {}
    inp["x"] = jax.random.normal(ks[0], (N, D), jnp.float32)
    inp["edge_index"] = jax.random.randint(ks[1], (2, E), 0, N, jnp.int32)
    inp["w"] = jax.random.normal(ks[2], (1, WD), jnp.float32)
    inp["edge_W"] = jax.random.normal(ks[3], (N, H), jnp.float32) * 0.02
    inp["edge_b"] = jnp.zeros((H,), jnp.float32)
    inp["cat1_W"] = jax.random.normal(ks[4], (H, H), jnp.float32) * 0.05
    inp["cat1_b"] = jnp.zeros((H,), jnp.float32)
    inp["cat2_W"] = jax.random.normal(ks[5], (H, H), jnp.float32) * 0.05
    inp["cat2_b"] = jnp.zeros((H,), jnp.float32)
    inp["nm_W"] = jax.random.normal(ks[6], (D, H), jnp.float32) * 0.05
    inp["nm_b"] = jnp.zeros((H,), jnp.float32)
    inp["nm_aW"] = jax.random.normal(ks[7], (WD, 2 * H), jnp.float32)
    inp["nm_ab"] = _adain_bias(H)
    inp["nm_ns"] = jnp.zeros((1,), jnp.float32)
    inp["nm_noise"] = jax.random.normal(ks[8], (1, H), jnp.float32)
    inp["f1_W"] = jax.random.normal(ks[9], (H, H), jnp.float32) * 0.05
    inp["f1_b"] = jnp.zeros((H,), jnp.float32)
    inp["f1_aW"] = jax.random.normal(ks[10], (WD, 2 * H), jnp.float32)
    inp["f1_ab"] = _adain_bias(H)
    inp["f1_ns"] = jnp.zeros((1,), jnp.float32)
    inp["f1_noise"] = jax.random.normal(ks[11], (1, H), jnp.float32)
    inp["f2_W"] = jax.random.normal(ks[12], (H, H), jnp.float32) * 0.05
    inp["f2_b"] = jnp.zeros((H,), jnp.float32)
    inp["f2_aW"] = jax.random.normal(ks[13], (WD, 2 * H), jnp.float32)
    inp["f2_ab"] = _adain_bias(H)
    inp["f2_ns"] = jnp.zeros((1,), jnp.float32)
    inp["f2_noise"] = jax.random.normal(ks[14], (1, H), jnp.float32)
    return inp


def reference(x, edge_index, w, edge_W, edge_b, cat1_W, cat1_b, cat2_W, cat2_b, nm_W, nm_b, nm_aW, nm_ab, nm_ns, nm_noise, f1_W, f1_b, f1_aW, f1_ab, f1_ns, f1_noise, f2_W, f2_b, f2_aW, f2_ab, f2_ns, f2_noise):
    src = edge_index[0]
    dst = edge_index[1]
    # SparseLinear (LINKX): out[dst] += weight[src]; plus bias -> spmm(A, W)
    agg = jnp.zeros((N, H), jnp.float32).at[dst].add(jnp.take(edge_W, src, axis=0)) + edge_b
    out = agg + (agg @ cat1_W + cat1_b)
    xn = _style_layer(x, w, nm_W, nm_b, nm_aW, nm_ab, nm_ns, nm_noise)
    out = out + xn + (xn @ cat2_W + cat2_b)
    out = jnp.maximum(out, 0.0)
    out = _style_layer(out, w, f1_W, f1_b, f1_aW, f1_ab, f1_ns, f1_noise)
    out = _style_layer(out, w, f2_W, f2_b, f2_aW, f2_ab, f2_ns, f2_noise)
    return out

if __name__ == "__main__":
    import jax
    _d = setup_inputs()
    print(jax.jit(kernel)(*tuple(_d.values())))

</pallas_src>

<mosaic_0001>
#map = affine_map<(d0, d1) -> (0, 0)>
#map1 = affine_map<(d0, d1) -> (0, 0, 0)>
module attributes {stable_mosaic.version = 14 : i64} {
  func.func @_sc_scatter_body(%arg0: i32, %arg1: i32, %arg2: memref<2560x128xi32, #tpu.memory_space<hbm>>, %arg3: memref<2560x128xi32, #tpu.memory_space<hbm>>, %arg4: memref<10000x128xf32, #tpu.memory_space<hbm>>, %arg5: memref<10016x128xf32, #tpu.memory_space<hbm>>, %arg6: memref<2x10000x128xf32, #tpu.memory_space<hbm>>, %arg7: memref<40x128xi32, #tpu.memory_space<vmem>>, %arg8: memref<40x128xi32, #tpu.memory_space<vmem>>, %arg9: memref<128x128xf32, #tpu.memory_space<vmem>>, %arg10: memref<128x128xf32, #tpu.memory_space<vmem>>, %arg11: memref<10016x128xf32, #tpu.memory_space<vmem_shared>>, %arg12: memref<!tpu.dma_semaphore, #tpu.memory_space<semaphore_mem>>, %arg13: memref<!tpu.dma_semaphore, #tpu.memory_space<semaphore_mem>>, %arg14: memref<!tpu.dma_semaphore, #tpu.memory_space<semaphore_mem>>, %arg15: memref<!tpu.dma_semaphore, #tpu.memory_space<semaphore_mem>>) attributes {dimension_semantics = [#tpu.dimension_semantics<core_parallel>, #tpu.dimension_semantics<subcore_parallel>], iteration_bounds = array<i64: 2, 16>, scalar_prefetch = 0 : i64, scratch_operands = 9 : i64, tpu.core_type = #tpu.core_type<sc_vector_subcore>, window_params = [{transform_indices = #map}, {transform_indices = #map}, {transform_indices = #map}, {transform_indices = #map}, {transform_indices = #map1}]} {
    %mul3A = arith.constant 16 : i32
    %mul3A_0 = arith.muli %arg0, %mul3A : i32
    %add3A = arith.addi %mul3A_0, %arg1 : i32
    %mul3A_1 = arith.constant 624 : i32
    %mul3A_2 = arith.muli %arg1, %mul3A_1 : i32
    %mul3A_3 = arith.constant 624 : i32
    %mul3A_4 = arith.muli %arg1, %mul3A_3 : i32
    "tpu.region"() ({
      %run_scoped3A = tpu.sem_alloc : memref<!tpu.dma_semaphore, #tpu.memory_space<semaphore_mem>>
      %dma_start3A = arith.constant 0 : i32
      %dma_start3A_34 = tpu.memref_slice %arg11[%mul3A_4, %dma_start3A] : memref<10016x128xf32, #tpu.memory_space<vmem_shared>> -> memref<624x128xf32, #tpu.memory_space<vmem_shared>>
      %dma_start3A_35 = arith.constant 0 : i32
      %dma_start3A_36 = tpu.memref_slice %arg5[%mul3A_2, %dma_start3A_35] : memref<10016x128xf32, #tpu.memory_space<hbm>> -> memref<624x128xf32, #tpu.memory_space<hbm>>
      tpu.enqueue_dma source(%dma_start3A_36 : memref<624x128xf32, #tpu.memory_space<hbm>>) target(%dma_start3A_34 : memref<624x128xf32, #tpu.memory_space<vmem_shared>>) target_semaphore(%run_scoped3A : memref<!tpu.dma_semaphore, #tpu.memory_space<semaphore_mem>>)
      %dma_wait3A = arith.constant 0 : i32
      %dma_wait3A_37 = tpu.memref_slice %arg11[%mul3A_4, %dma_wait3A] : memref<10016x128xf32, #tpu.memory_space<vmem_shared>> -> memref<624x128xf32, #tpu.memory_space<vmem_shared>>
      %dma_wait3A_38 = arith.constant 0 : i32
      %dma_wait3A_39 = tpu.memref_slice %arg5[%mul3A_2, %dma_wait3A_38] : memref<10016x128xf32, #tpu.memory_space<hbm>> -> memref<624x128xf32, #tpu.memory_space<hbm>>
      tpu.wait_dma2 semaphore(%run_scoped3A : memref<!tpu.dma_semaphore, #tpu.memory_space<semaphore_mem>>) src(%dma_wait3A_39 : memref<624x128xf32, #tpu.memory_space<hbm>>) dst(%dma_wait3A_37 : memref<624x128xf32, #tpu.memory_space<vmem_shared>>)
      tpu.yield
    }) : () -> ()
    %eq3A = arith.constant 15 : i32
    %eq3A_5 = arith.cmpi eq, %arg1, %eq3A : i32
    %convert_element_type3A = arith.extui %eq3A_5 : i1 to i32
    %cond3A = arith.constant 0 : i32
    %cond3A_6 = arith.cmpi ne, %convert_element_type3A, %cond3A : i32
    scf.if %cond3A_6 {
      "tpu.region"() ({
        %run_scoped3A = tpu.sem_alloc : memref<!tpu.dma_semaphore, #tpu.memory_space<semaphore_mem>>
        %dma_start3A = arith.constant 9984 : i32
        %dma_start3A_34 = arith.constant 0 : i32
        %dma_start3A_35 = tpu.memref_slice %arg11[%dma_start3A, %dma_start3A_34] : memref<10016x128xf32, #tpu.memory_space<vmem_shared>> -> memref<32x128xf32, #tpu.memory_space<vmem_shared>>
        %dma_start3A_36 = arith.constant 9984 : i32
        %dma_start3A_37 = arith.constant 0 : i32
        %dma_start3A_38 = tpu.memref_slice %arg5[%dma_start3A_36, %dma_start3A_37] : memref<10016x128xf32, #tpu.memory_space<hbm>> -> memref<32x128xf32, #tpu.memory_space<hbm>>
        tpu.enqueue_dma source(%dma_start3A_38 : memref<32x128xf32, #tpu.memory_space<hbm>>) target(%dma_start3A_35 : memref<32x128xf32, #tpu.memory_space<vmem_shared>>) target_semaphore(%run_scoped3A : memref<!tpu.dma_semaphore, #tpu.memory_space<semaphore_mem>>)
        %dma_wait3A = arith.constant 9984 : i32
        %dma_wait3A_39 = arith.constant 0 : i32
        %dma_wait3A_40 = tpu.memref_slice %arg11[%dma_wait3A, %dma_wait3A_39] : memref<10016x128xf32, #tpu.memory_space<vmem_shared>> -> memref<32x128xf32, #tpu.memory_space<vmem_shared>>
        %dma_wait3A_41 = arith.constant 9984 : i32
        %dma_wait3A_42 = arith.constant 0 : i32
        %dma_wait3A_43 = tpu.memref_slice %arg5[%dma_wait3A_41, %dma_wait3A_42] : memref<10016x128xf32, #tpu.memory_space<hbm>> -> memref<32x128xf32, #tpu.memory_space<hbm>>
        tpu.wait_dma2 semaphore(%run_scoped3A : memref<!tpu.dma_semaphore, #tpu.memory_space<semaphore_mem>>) src(%dma_wait3A_43 : memref<32x128xf32, #tpu.memory_space<hbm>>) dst(%dma_wait3A_40 : memref<32x128xf32, #tpu.memory_space<vmem_shared>>)
        tpu.yield
      }) : () -> ()
    } else {
    }
    %barrier3A = arith.constant 0 : index
    tpu.barrier barrier_id(%barrier3A)
    %mul3A_7 = arith.constant 80 : i32
    %mul3A_8 = arith.muli %add3A, %mul3A_7 : i32
    %add3A_9 = arith.constant 0 : i32
    %add3A_10 = arith.addi %mul3A_8, %add3A_9 : i32
    "tpu.region"() ({
      %run_scoped3A = tpu.sem_alloc : memref<!tpu.dma_semaphore, #tpu.memory_space<semaphore_mem>>
      %dma_start3A = arith.constant 0 : i32
      %dma_start3A_34 = tpu.memref_slice %arg2[%add3A_10, %dma_start3A] : memref<2560x128xi32, #tpu.memory_space<hbm>> -> memref<40x128xi32, #tpu.memory_space<hbm>>
      %dma_start3A_35 = arith.constant 0 : i32
      %dma_start3A_36 = tpu.memref_slice %arg2[%add3A_10, %dma_start3A_35] : memref<2560x128xi32, #tpu.memory_space<hbm>> -> memref<40x128xi32, #tpu.memory_space<hbm>>
      tpu.enqueue_dma source(%dma_start3A_36 : memref<40x128xi32, #tpu.memory_space<hbm>>) target(%arg7 : memref<40x128xi32, #tpu.memory_space<vmem>>) target_semaphore(%run_scoped3A : memref<!tpu.dma_semaphore, #tpu.memory_space<semaphore_mem>>)
      %dma_wait3A = arith.constant 0 : i32
      %dma_wait3A_37 = tpu.memref_slice %arg2[%add3A_10, %dma_wait3A] : memref<2560x128xi32, #tpu.memory_space<hbm>> -> memref<40x128xi32, #tpu.memory_space<hbm>>
      %dma_wait3A_38 = arith.constant 0 : i32
      %dma_wait3A_39 = tpu.memref_slice %arg2[%add3A_10, %dma_wait3A_38] : memref<2560x128xi32, #tpu.memory_space<hbm>> -> memref<40x128xi32, #tpu.memory_space<hbm>>
      tpu.wait_dma2 semaphore(%run_scoped3A : memref<!tpu.dma_semaphore, #tpu.memory_space<semaphore_mem>>) src(%dma_wait3A_39 : memref<40x128xi32, #tpu.memory_space<hbm>>) dst(%arg7 : memref<40x128xi32, #tpu.memory_space<vmem>>)
      tpu.yield
    }) : () -> ()
    "tpu.region"() ({
      %run_scoped3A = tpu.sem_alloc : memref<!tpu.dma_semaphore, #tpu.memory_space<semaphore_mem>>
      %dma_start3A = arith.constant 0 : i32
      %dma_start3A_34 = tpu.memref_slice %arg3[%add3A_10, %dma_start3A] : memref<2560x128xi32, #tpu.memory_space<hbm>> -> memref<40x128xi32, #tpu.memory_space<hbm>>
      %dma_start3A_35 = arith.constant 0 : i32
      %dma_start3A_36 = tpu.memref_slice %arg3[%add3A_10, %dma_start3A_35] : memref<2560x128xi32, #tpu.memory_space<hbm>> -> memref<40x128xi32, #tpu.memory_space<hbm>>
      tpu.enqueue_dma source(%dma_start3A_36 : memref<40x128xi32, #tpu.memory_space<hbm>>) target(%arg8 : memref<40x128xi32, #tpu.memory_space<vmem>>) target_semaphore(%run_scoped3A : memref<!tpu.dma_semaphore, #tpu.memory_space<semaphore_mem>>)
      %dma_wait3A = arith.constant 0 : i32
      %dma_wait3A_37 = tpu.memref_slice %arg3[%add3A_10, %dma_wait3A] : memref<2560x128xi32, #tpu.memory_space<hbm>> -> memref<40x128xi32, #tpu.memory_space<hbm>>
      %dma_wait3A_38 = arith.constant 0 : i32
      %dma_wait3A_39 = tpu.memref_slice %arg3[%add3A_10, %dma_wait3A_38] : memref<2560x128xi32, #tpu.memory_space<hbm>> -> memref<40x128xi32, #tpu.memory_space<hbm>>
      tpu.wait_dma2 semaphore(%run_scoped3A : memref<!tpu.dma_semaphore, #tpu.memory_space<semaphore_mem>>) src(%dma_wait3A_39 : memref<40x128xi32, #tpu.memory_space<hbm>>) dst(%arg8 : memref<40x128xi32, #tpu.memory_space<vmem>>)
      tpu.yield
    }) : () -> ()
    %scan3A = arith.constant 0 : i32
    %scan3A_11 = arith.constant 10 : i32
    %scan3A_12 = arith.addi %scan3A, %scan3A_11 : i32
    %scan3A_13 = arith.constant 1 : i32
    scf.for %scan3A_34 = %scan3A to %scan3A_12 step %scan3A_13  : i32 {
      %mul3A_35 = arith.constant 4 : i32
      %mul3A_36 = arith.muli %scan3A_34, %mul3A_35 : i32
      %add3A_37 = arith.constant 0 : i32
      %add3A_38 = arith.addi %add3A_37, %mul3A_36 : i32
      %dma_start3A = arith.constant 0 : i32
      %dma_start3A_39 = tpu.memref_slice %arg7[%add3A_38, %dma_start3A] : memref<40x128xi32, #tpu.memory_space<vmem>> -> memref<1x128xi32, #tpu.memory_space<vmem>>
      %dma_start3A_40 = tpu.memref_squeeze %dma_start3A_39 : memref<1x128xi32, #tpu.memory_space<vmem>> -> memref<128xi32, #tpu.memory_space<vmem>>
      %dma_start3A_41 = arith.constant 0 : i32
      %dma_start3A_42 = arith.constant 0 : i32
      %dma_start3A_43 = tpu.memref_slice %arg4[%dma_start3A_41, %dma_start3A_42] : memref<10000x128xf32, #tpu.memory_space<hbm>> -> memref<10000x128xf32, #tpu.memory_space<hbm>>
      tpu.enqueue_indirect_dma source(%dma_start3A_43 : memref<10000x128xf32, #tpu.memory_space<hbm>>) target(%arg9 : memref<128x128xf32, #tpu.memory_space<vmem>>) offsets(%dma_start3A_40 : memref<128xi32, #tpu.memory_space<vmem>>) semaphore(%arg12 : memref<!tpu.dma_semaphore, #tpu.memory_space<semaphore_mem>>)
      %add3A_44 = arith.constant 1 : i32
      %add3A_45 = arith.addi %add3A_38, %add3A_44 : i32
      %dma_start3A_46 = arith.constant 0 : i32
      %dma_start3A_47 = tpu.memref_slice %arg7[%add3A_45, %dma_start3A_46] : memref<40x128xi32, #tpu.memory_space<vmem>> -> memref<1x128xi32, #tpu.memory_space<vmem>>
      %dma_start3A_48 = tpu.memref_squeeze %dma_start3A_47 : memref<1x128xi32, #tpu.memory_space<vmem>> -> memref<128xi32, #tpu.memory_space<vmem>>
      %dma_start3A_49 = arith.constant 0 : i32
      %dma_start3A_50 = arith.constant 0 : i32
      %dma_start3A_51 = tpu.memref_slice %arg4[%dma_start3A_49, %dma_start3A_50] : memref<10000x128xf32, #tpu.memory_space<hbm>> -> memref<10000x128xf32, #tpu.memory_space<hbm>>
      tpu.enqueue_indirect_dma source(%dma_start3A_51 : memref<10000x128xf32, #tpu.memory_space<hbm>>) target(%arg10 : memref<128x128xf32, #tpu.memory_space<vmem>>) offsets(%dma_start3A_48 : memref<128xi32, #tpu.memory_space<vmem>>) semaphore(%arg13 : memref<!tpu.dma_semaphore, #tpu.memory_space<semaphore_mem>>)
      %dma_wait3A = arith.constant 0 : i32
      %dma_wait3A_52 = tpu.memref_slice %arg7[%add3A_38, %dma_wait3A] : memref<40x128xi32, #tpu.memory_space<vmem>> -> memref<1x128xi32, #tpu.memory_space<vmem>>
      %dma_wait3A_53 = tpu.memref_squeeze %dma_wait3A_52 : memref<1x128xi32, #tpu.memory_space<vmem>> -> memref<128xi32, #tpu.memory_space<vmem>>
      %dma_wait3A_54 = arith.constant 0 : i32
      %dma_wait3A_55 = arith.constant 0 : i32
      %dma_wait3A_56 = tpu.memref_slice %arg4[%dma_wait3A_54, %dma_wait3A_55] : memref<10000x128xf32, #tpu.memory_space<hbm>> -> memref<10000x128xf32, #tpu.memory_space<hbm>>
      tpu.wait_indirect_dma semaphore(%arg12 : memref<!tpu.dma_semaphore, #tpu.memory_space<semaphore_mem>>) src(%dma_wait3A_56 : memref<10000x128xf32, #tpu.memory_space<hbm>>) dst(%arg9 : memref<128x128xf32, #tpu.memory_space<vmem>>)
      %dma_start3A_57 = arith.constant 0 : i32
      %dma_start3A_58 = tpu.memref_slice %arg8[%add3A_38, %dma_start3A_57] : memref<40x128xi32, #tpu.memory_space<vmem>> -> memref<1x128xi32, #tpu.memory_space<vmem>>
      %dma_start3A_59 = tpu.memref_squeeze %dma_start3A_58 : memref<1x128xi32, #tpu.memory_space<vmem>> -> memref<128xi32, #tpu.memory_space<vmem>>
      %dma_start3A_60 = arith.constant 0 : i32
      %dma_start3A_61 = arith.constant 0 : i32
      %dma_start3A_62 = tpu.memref_slice %arg11[%dma_start3A_60, %dma_start3A_61] : memref<10016x128xf32, #tpu.memory_space<vmem_shared>> -> memref<10016x128xf32, #tpu.memory_space<vmem_shared>>
      tpu.enqueue_indirect_dma source(%arg9 : memref<128x128xf32, #tpu.memory_space<vmem>>) target(%dma_start3A_62 : memref<10016x128xf32, #tpu.memory_space<vmem_shared>>) offsets(%dma_start3A_59 : memref<128xi32, #tpu.memory_space<vmem>>) semaphore(%arg14 : memref<!tpu.dma_semaphore, #tpu.memory_space<semaphore_mem>>) {add = true}
      %dma_wait3A_63 = arith.constant 0 : i32
      %dma_wait3A_64 = tpu.memref_slice %arg7[%add3A_45, %dma_wait3A_63] : memref<40x128xi32, #tpu.memory_space<vmem>> -> memref<1x128xi32, #tpu.memory_space<vmem>>
      %dma_wait3A_65 = tpu.memref_squeeze %dma_wait3A_64 : memref<1x128xi32, #tpu.memory_space<vmem>> -> memref<128xi32, #tpu.memory_space<vmem>>
      %dma_wait3A_66 = arith.constant 0 : i32
      %dma_wait3A_67 = arith.constant 0 : i32
      %dma_wait3A_68 = tpu.memref_slice %arg4[%dma_wait3A_66, %dma_wait3A_67] : memref<10000x128xf32, #tpu.memory_space<hbm>> -> memref<10000x128xf32, #tpu.memory_space<hbm>>
      tpu.wait_indirect_dma semaphore(%arg13 : memref<!tpu.dma_semaphore, #tpu.memory_space<semaphore_mem>>) src(%dma_wait3A_68 : memref<10000x128xf32, #tpu.memory_space<hbm>>) dst(%arg10 : memref<128x128xf32, #tpu.memory_space<vmem>>)
      %add3A_69 = arith.constant 1 : i32
      %add3A_70 = arith.addi %add3A_38, %add3A_69 : i32
      %dma_start3A_71 = arith.constant 0 : i32
      %dma_start3A_72 = tpu.memref_slice %arg8[%add3A_70, %dma_start3A_71] : memref<40x128xi32, #tpu.memory_space<vmem>> -> memref<1x128xi32, #tpu.memory_space<vmem>>
      %dma_start3A_73 = tpu.memref_squeeze %dma_start3A_72 : memref<1x128xi32, #tpu.memory_space<vmem>> -> memref<128xi32, #tpu.memory_space<vmem>>
      %dma_start3A_74 = arith.constant 0 : i32
      %dma_start3A_75 = arith.constant 0 : i32
      %dma_start3A_76 = tpu.memref_slice %arg11[%dma_start3A_74, %dma_start3A_75] : memref<10016x128xf32, #tpu.memory_space<vmem_shared>> -> memref<10016x128xf32, #tpu.memory_space<vmem_shared>>
      tpu.enqueue_indirect_dma source(%arg10 : memref<128x128xf32, #tpu.memory_space<vmem>>) target(%dma_start3A_76 : memref<10016x128xf32, #tpu.memory_space<vmem_shared>>) offsets(%dma_start3A_73 : memref<128xi32, #tpu.memory_space<vmem>>) semaphore(%arg15 : memref<!tpu.dma_semaphore, #tpu.memory_space<semaphore_mem>>) {add = true}
      %dma_wait3A_77 = arith.constant 0 : i32
      %dma_wait3A_78 = tpu.memref_slice %arg8[%add3A_38, %dma_wait3A_77] : memref<40x128xi32, #tpu.memory_space<vmem>> -> memref<1x128xi32, #tpu.memory_space<vmem>>
      %dma_wait3A_79 = tpu.memref_squeeze %dma_wait3A_78 : memref<1x128xi32, #tpu.memory_space<vmem>> -> memref<128xi32, #tpu.memory_space<vmem>>
      %dma_wait3A_80 = arith.constant 0 : i32
      %dma_wait3A_81 = arith.constant 0 : i32
      %dma_wait3A_82 = tpu.memref_slice %arg11[%dma_wait3A_80, %dma_wait3A_81] : memref<10016x128xf32, #tpu.memory_space<vmem_shared>> -> memref<10016x128xf32, #tpu.memory_space<vmem_shared>>
      tpu.wait_indirect_dma semaphore(%arg14 : memref<!tpu.dma_semaphore, #tpu.memory_space<semaphore_mem>>) src(%arg9 : memref<128x128xf32, #tpu.memory_space<vmem>>) dst(%dma_wait3A_82 : memref<10016x128xf32, #tpu.memory_space<vmem_shared>>)
      %add3A_83 = arith.constant 2 : i32
      %add3A_84 = arith.addi %add3A_38, %add3A_83 : i32
      %dma_start3A_85 = arith.constant 0 : i32
      %dma_start3A_86 = tpu.memref_slice %arg7[%add3A_84, %dma_start3A_85] : memref<40x128xi32, #tpu.memory_space<vmem>> -> memref<1x128xi32, #tpu.memory_space<vmem>>
      %dma_start3A_87 = tpu.memref_squeeze %dma_start3A_86 : memref<1x128xi32, #tpu.memory_space<vmem>> -> memref<128xi32, #tpu.memory_space<vmem>>
      %dma_start3A_88 = arith.constant 0 : i32
      %dma_start3A_89 = arith.constant 0 : i32
      %dma_start3A_90 = tpu.memref_slice %arg4[%dma_start3A_88, %dma_start3A_89] : memref<10000x128xf32, #tpu.memory_space<hbm>> -> memref<10000x128xf32, #tpu.memory_space<hbm>>
      tpu.enqueue_indirect_dma source(%dma_start3A_90 : memref<10000x128xf32, #tpu.memory_space<hbm>>) target(%arg9 : memref<128x128xf32, #tpu.memory_space<vmem>>) offsets(%dma_start3A_87 : memref<128xi32, #tpu.memory_space<vmem>>) semaphore(%arg12 : memref<!tpu.dma_semaphore, #tpu.memory_space<semaphore_mem>>)
      %dma_wait3A_91 = arith.constant 0 : i32
      %dma_wait3A_92 = tpu.memref_slice %arg8[%add3A_70, %dma_wait3A_91] : memref<40x128xi32, #tpu.memory_space<vmem>> -> memref<1x128xi32, #tpu.memory_space<vmem>>
      %dma_wait3A_93 = tpu.memref_squeeze %dma_wait3A_92 : memref<1x128xi32, #tpu.memory_space<vmem>> -> memref<128xi32, #tpu.memory_space<vmem>>
      %dma_wait3A_94 = arith.constant 0 : i32
      %dma_wait3A_95 = arith.constant 0 : i32
      %dma_wait3A_96 = tpu.memref_slice %arg11[%dma_wait3A_94, %dma_wait3A_95] : memref<10016x128xf32, #tpu.memory_space<vmem_shared>> -> memref<10016x128xf32, #tpu.memory_space<vmem_shared>>
      tpu.wait_indirect_dma semaphore(%arg15 : memref<!tpu.dma_semaphore, #tpu.memory_space<semaphore_mem>>) src(%arg10 : memref<128x128xf32, #tpu.memory_space<vmem>>) dst(%dma_wait3A_96 : memref<10016x128xf32, #tpu.memory_space<vmem_shared>>)
      %add3A_97 = arith.constant 3 : i32
      %add3A_98 = arith.addi %add3A_38, %add3A_97 : i32
      %dma_start3A_99 = arith.constant 0 : i32
      %dma_start3A_100 = tpu.memref_slice %arg7[%add3A_98, %dma_start3A_99] : memref<40x128xi32, #tpu.memory_space<vmem>> -> memref<1x128xi32, #tpu.memory_space<vmem>>
      %dma_start3A_101 = tpu.memref_squeeze %dma_start3A_100 : memref<1x128xi32, #tpu.memory_space<vmem>> -> memref<128xi32, #tpu.memory_space<vmem>>
      %dma_start3A_102 = arith.constant 0 : i32
      %dma_start3A_103 = arith.constant 0 : i32
      %dma_start3A_104 = tpu.memref_slice %arg4[%dma_start3A_102, %dma_start3A_103] : memref<10000x128xf32, #tpu.memory_space<hbm>> -> memref<10000x128xf32, #tpu.memory_space<hbm>>
      tpu.enqueue_indirect_dma source(%dma_start3A_104 : memref<10000x128xf32, #tpu.memory_space<hbm>>) target(%arg10 : memref<128x128xf32, #tpu.memory_space<vmem>>) offsets(%dma_start3A_101 : memref<128xi32, #tpu.memory_space<vmem>>) semaphore(%arg13 : memref<!tpu.dma_semaphore, #tpu.memory_space<semaphore_mem>>)
      %dma_wait3A_105 = arith.constant 0 : i32
      %dma_wait3A_106 = tpu.memref_slice %arg7[%add3A_84, %dma_wait3A_105] : memref<40x128xi32, #tpu.memory_space<vmem>> -> memref<1x128xi32, #tpu.memory_space<vmem>>
      %dma_wait3A_107 = tpu.memref_squeeze %dma_wait3A_106 : memref<1x128xi32, #tpu.memory_space<vmem>> -> memref<128xi32, #tpu.memory_space<vmem>>
      %dma_wait3A_108 = arith.constant 0 : i32
      %dma_wait3A_109 = arith.constant 0 : i32
      %dma_wait3A_110 = tpu.memref_slice %arg4[%dma_wait3A_108, %dma_wait3A_109] : memref<10000x128xf32, #tpu.memory_space<hbm>> -> memref<10000x128xf32, #tpu.memory_space<hbm>>
      tpu.wait_indirect_dma semaphore(%arg12 : memref<!tpu.dma_semaphore, #tpu.memory_space<semaphore_mem>>) src(%dma_wait3A_110 : memref<10000x128xf32, #tpu.memory_space<hbm>>) dst(%arg9 : memref<128x128xf32, #tpu.memory_space<vmem>>)
      %add3A_111 = arith.constant 2 : i32
      %add3A_112 = arith.addi %add3A_38, %add3A_111 : i32
      %dma_start3A_113 = arith.constant 0 : i32
      %dma_start3A_114 = tpu.memref_slice %arg8[%add3A_112, %dma_start3A_113] : memref<40x128xi32, #tpu.memory_space<vmem>> -> memref<1x128xi32, #tpu.memory_space<vmem>>
      %dma_start3A_115 = tpu.memref_squeeze %dma_start3A_114 : memref<1x128xi32, #tpu.memory_space<vmem>> -> memref<128xi32, #tpu.memory_space<vmem>>
      %dma_start3A_116 = arith.constant 0 : i32
      %dma_start3A_117 = arith.constant 0 : i32
      %dma_start3A_118 = tpu.memref_slice %arg11[%dma_start3A_116, %dma_start3A_117] : memref<10016x128xf32, #tpu.memory_space<vmem_shared>> -> memref<10016x128xf32, #tpu.memory_space<vmem_shared>>
      tpu.enqueue_indirect_dma source(%arg9 : memref<128x128xf32, #tpu.memory_space<vmem>>) target(%dma_start3A_118 : memref<10016x128xf32, #tpu.memory_space<vmem_shared>>) offsets(%dma_start3A_115 : memref<128xi32, #tpu.memory_space<vmem>>) semaphore(%arg14 : memref<!tpu.dma_semaphore, #tpu.memory_space<semaphore_mem>>) {add = true}
      %dma_wait3A_119 = arith.constant 0 : i32
      %dma_wait3A_120 = tpu.memref_slice %arg7[%add3A_98, %dma_wait3A_119] : memref<40x128xi32, #tpu.memory_space<vmem>> -> memref<1x128xi32, #tpu.memory_space<vmem>>
      %dma_wait3A_121 = tpu.memref_squeeze %dma_wait3A_120 : memref<1x128xi32, #tpu.memory_space<vmem>> -> memref<128xi32, #tpu.memory_space<vmem>>
      %dma_wait3A_122 = arith.constant 0 : i32
      %dma_wait3A_123 = arith.constant 0 : i32
      %dma_wait3A_124 = tpu.memref_slice %arg4[%dma_wait3A_122, %dma_wait3A_123] : memref<10000x128xf32, #tpu.memory_space<hbm>> -> memref<10000x128xf32, #tpu.memory_space<hbm>>
      tpu.wait_indirect_dma semaphore(%arg13 : memref<!tpu.dma_semaphore, #tpu.memory_space<semaphore_mem>>) src(%dma_wait3A_124 : memref<10000x128xf32, #tpu.memory_space<hbm>>) dst(%arg10 : memref<128x128xf32, #tpu.memory_space<vmem>>)
      %add3A_125 = arith.constant 3 : i32
      %add3A_126 = arith.addi %add3A_38, %add3A_125 : i32
      %dma_start3A_127 = arith.constant 0 : i32
      %dma_start3A_128 = tpu.memref_slice %arg8[%add3A_126, %dma_start3A_127] : memref<40x128xi32, #tpu.memory_space<vmem>> -> memref<1x128xi32, #tpu.memory_space<vmem>>
      %dma_start3A_129 = tpu.memref_squeeze %dma_start3A_128 : memref<1x128xi32, #tpu.memory_space<vmem>> -> memref<128xi32, #tpu.memory_space<vmem>>
      %dma_start3A_130 = arith.constant 0 : i32
      %dma_start3A_131 = arith.constant 0 : i32
      %dma_start3A_132 = tpu.memref_slice %arg11[%dma_start3A_130, %dma_start3A_131] : memref<10016x128xf32, #tpu.memory_space<vmem_shared>> -> memref<10016x128xf32, #tpu.memory_space<vmem_shared>>
      tpu.enqueue_indirect_dma source(%arg10 : memref<128x128xf32, #tpu.memory_space<vmem>>) target(%dma_start3A_132 : memref<10016x128xf32, #tpu.memory_space<vmem_shared>>) offsets(%dma_start3A_129 : memref<128xi32, #tpu.memory_space<vmem>>) semaphore(%arg15 : memref<!tpu.dma_semaphore, #tpu.memory_space<semaphore_mem>>) {add = true}
      %dma_wait3A_133 = arith.constant 0 : i32
      %dma_wait3A_134 = tpu.memref_slice %arg8[%add3A_112, %dma_wait3A_133] : memref<40x128xi32, #tpu.memory_space<vmem>> -> memref<1x128xi32, #tpu.memory_space<vmem>>
      %dma_wait3A_135 = tpu.memref_squeeze %dma_wait3A_134 : memref<1x128xi32, #tpu.memory_space<vmem>> -> memref<128xi32, #tpu.memory_space<vmem>>
      %dma_wait3A_136 = arith.constant 0 : i32
      %dma_wait3A_137 = arith.constant 0 : i32
      %dma_wait3A_138 = tpu.memref_slice %arg11[%dma_wait3A_136, %dma_wait3A_137] : memref<10016x128xf32, #tpu.memory_space<vmem_shared>> -> memref<10016x128xf32, #tpu.memory_space<vmem_shared>>
      tpu.wait_indirect_dma semaphore(%arg14 : memref<!tpu.dma_semaphore, #tpu.memory_space<semaphore_mem>>) src(%arg9 : memref<128x128xf32, #tpu.memory_space<vmem>>) dst(%dma_wait3A_138 : memref<10016x128xf32, #tpu.memory_space<vmem_shared>>)
      %dma_wait3A_139 = arith.constant 0 : i32
      %dma_wait3A_140 = tpu.memref_slice %arg8[%add3A_126, %dma_wait3A_139] : memref<40x128xi32, #tpu.memory_space<vmem>> -> memref<1x128xi32, #tpu.memory_space<vmem>>
      %dma_wait3A_141 = tpu.memref_squeeze %dma_wait3A_140 : memref<1x128xi32, #tpu.memory_space<vmem>> -> memref<128xi32, #tpu.memory_space<vmem>>
      %dma_wait3A_142 = arith.constant 0 : i32
      %dma_wait3A_143 = arith.constant 0 : i32
      %dma_wait3A_144 = tpu.memref_slice %arg11[%dma_wait3A_142, %dma_wait3A_143] : memref<10016x128xf32, #tpu.memory_space<vmem_shared>> -> memref<10016x128xf32, #tpu.memory_space<vmem_shared>>
      tpu.wait_indirect_dma semaphore(%arg15 : memref<!tpu.dma_semaphore, #tpu.memory_space<semaphore_mem>>) src(%arg10 : memref<128x128xf32, #tpu.memory_space<vmem>>) dst(%dma_wait3A_144 : memref<10016x128xf32, #tpu.memory_space<vmem_shared>>)
    }
    %scan3A_14 = arith.constant 10 : i32
    %mul3A_15 = arith.constant 80 : i32
    %mul3A_16 = arith.muli %add3A, %mul3A_15 : i32
    %add3A_17 = arith.constant 40 : i32
    %add3A_18 = arith.addi %mul3A_16, %add3A_17 : i32
    "tpu.region"() ({
      %run_scoped3A = tpu.sem_alloc : memref<!tpu.dma_semaphore, #tpu.memory_space<semaphore_mem>>
      %dma_start3A = arith.constant 0 : i32
      %dma_start3A_34 = tpu.memref_slice %arg2[%add3A_18, %dma_start3A] : memref<2560x128xi32, #tpu.memory_space<hbm>> -> memref<40x128xi32, #tpu.memory_space<hbm>>
      %dma_start3A_35 = arith.constant 0 : i32
      %dma_start3A_36 = tpu.memref_slice %arg2[%add3A_18, %dma_start3A_35] : memref<2560x128xi32, #tpu.memory_space<hbm>> -> memref<40x128xi32, #tpu.memory_space<hbm>>
      tpu.enqueue_dma source(%dma_start3A_36 : memref<40x128xi32, #tpu.memory_space<hbm>>) target(%arg7 : memref<40x128xi32, #tpu.memory_space<vmem>>) target_semaphore(%run_scoped3A : memref<!tpu.dma_semaphore, #tpu.memory_space<semaphore_mem>>)
      %dma_wait3A = arith.constant 0 : i32
      %dma_wait3A_37 = tpu.memref_slice %arg2[%add3A_18, %dma_wait3A] : memref<2560x128xi32, #tpu.memory_space<hbm>> -> memref<40x128xi32, #tpu.memory_space<hbm>>
      %dma_wait3A_38 = arith.constant 0 : i32
      %dma_wait3A_39 = tpu.memref_slice %arg2[%add3A_18, %dma_wait3A_38] : memref<2560x128xi32, #tpu.memory_space<hbm>> -> memref<40x128xi32, #tpu.memory_space<hbm>>
      tpu.wait_dma2 semaphore(%run_scoped3A : memref<!tpu.dma_semaphore, #tpu.memory_space<semaphore_mem>>) src(%dma_wait3A_39 : memref<40x128xi32, #tpu.memory_space<hbm>>) dst(%arg7 : memref<40x128xi32, #tpu.memory_space<vmem>>)
      tpu.yield
    }) : () -> ()
    "tpu.region"() ({
      %run_scoped3A = tpu.sem_alloc : memref<!tpu.dma_semaphore, #tpu.memory_space<semaphore_mem>>
      %dma_start3A = arith.constant 0 : i32
      %dma_start3A_34 = tpu.memref_slice %arg3[%add3A_18, %dma_start3A] : memref<2560x128xi32, #tpu.memory_space<hbm>> -> memref<40x128xi32, #tpu.memory_space<hbm>>
      %dma_start3A_35 = arith.constant 0 : i32
      %dma_start3A_36 = tpu.memref_slice %arg3[%add3A_18, %dma_start3A_35] : memref<2560x128xi32, #tpu.memory_space<hbm>> -> memref<40x128xi32, #tpu.memory_space<hbm>>
      tpu.enqueue_dma source(%dma_start3A_36 : memref<40x128xi32, #tpu.memory_space<hbm>>) target(%arg8 : memref<40x128xi32, #tpu.memory_space<vmem>>) target_semaphore(%run_scoped3A : memref<!tpu.dma_semaphore, #tpu.memory_space<semaphore_mem>>)
      %dma_wait3A = arith.constant 0 : i32
      %dma_wait3A_37 = tpu.memref_slice %arg3[%add3A_18, %dma_wait3A] : memref<2560x128xi32, #tpu.memory_space<hbm>> -> memref<40x128xi32, #tpu.memory_space<hbm>>
      %dma_wait3A_38 = arith.constant 0 : i32
      %dma_wait3A_39 = tpu.memref_slice %arg3[%add3A_18, %dma_wait3A_38] : memref<2560x128xi32, #tpu.memory_space<hbm>> -> memref<40x128xi32, #tpu.memory_space<hbm>>
      tpu.wait_dma2 semaphore(%run_scoped3A : memref<!tpu.dma_semaphore, #tpu.memory_space<semaphore_mem>>) src(%dma_wait3A_39 : memref<40x128xi32, #tpu.memory_space<hbm>>) dst(%arg8 : memref<40x128xi32, #tpu.memory_space<vmem>>)
      tpu.yield
    }) : () -> ()
    %scan3A_19 = arith.constant 0 : i32
    %scan3A_20 = arith.constant 10 : i32
    %scan3A_21 = arith.addi %scan3A_19, %scan3A_20 : i32
    %scan3A_22 = arith.constant 1 : i32
    scf.for %scan3A_34 = %scan3A_19 to %scan3A_21 step %scan3A_22  : i32 {
      %mul3A_35 = arith.constant 4 : i32
      %mul3A_36 = arith.muli %scan3A_34, %mul3A_35 : i32
      %add3A_37 = arith.constant 0 : i32
      %add3A_38 = arith.addi %add3A_37, %mul3A_36 : i32
      %dma_start3A = arith.constant 0 : i32
      %dma_start3A_39 = tpu.memref_slice %arg7[%add3A_38, %dma_start3A] : memref<40x128xi32, #tpu.memory_space<vmem>> -> memref<1x128xi32, #tpu.memory_space<vmem>>
      %dma_start3A_40 = tpu.memref_squeeze %dma_start3A_39 : memref<1x128xi32, #tpu.memory_space<vmem>> -> memref<128xi32, #tpu.memory_space<vmem>>
      %dma_start3A_41 = arith.constant 0 : i32
      %dma_start3A_42 = arith.constant 0 : i32
      %dma_start3A_43 = tpu.memref_slice %arg4[%dma_start3A_41, %dma_start3A_42] : memref<10000x128xf32, #tpu.memory_space<hbm>> -> memref<10000x128xf32, #tpu.memory_space<hbm>>
      tpu.enqueue_indirect_dma source(%dma_start3A_43 : memref<10000x128xf32, #tpu.memory_space<hbm>>) target(%arg9 : memref<128x128xf32, #tpu.memory_space<vmem>>) offsets(%dma_start3A_40 : memref<128xi32, #tpu.memory_space<vmem>>) semaphore(%arg12 : memref<!tpu.dma_semaphore, #tpu.memory_space<semaphore_mem>>)
      %add3A_44 = arith.constant 1 : i32
      %add3A_45 = arith.addi %add3A_38, %add3A_44 : i32
      %dma_start3A_46 = arith.constant 0 : i32
      %dma_start3A_47 = tpu.memref_slice %arg7[%add3A_45, %dma_start3A_46] : memref<40x128xi32, #tpu.memory_space<vmem>> -> memref<1x128xi32, #tpu.memory_space<vmem>>
      %dma_start3A_48 = tpu.memref_squeeze %dma_start3A_47 : memref<1x128xi32, #tpu.memory_space<vmem>> -> memref<128xi32, #tpu.memory_space<vmem>>
      %dma_start3A_49 = arith.constant 0 : i32
      %dma_start3A_50 = arith.constant 0 : i32
      %dma_start3A_51 = tpu.memref_slice %arg4[%dma_start3A_49, %dma_start3A_50] : memref<10000x128xf32, #tpu.memory_space<hbm>> -> memref<10000x128xf32, #tpu.memory_space<hbm>>
      tpu.enqueue_indirect_dma source(%dma_start3A_51 : memref<10000x128xf32, #tpu.memory_space<hbm>>) target(%arg10 : memref<128x128xf32, #tpu.memory_space<vmem>>) offsets(%dma_start3A_48 : memref<128xi32, #tpu.memory_space<vmem>>) semaphore(%arg13 : memref<!tpu.dma_semaphore, #tpu.memory_space<semaphore_mem>>)
      %dma_wait3A = arith.constant 0 : i32
      %dma_wait3A_52 = tpu.memref_slice %arg7[%add3A_38, %dma_wait3A] : memref<40x128xi32, #tpu.memory_space<vmem>> -> memref<1x128xi32, #tpu.memory_space<vmem>>
      %dma_wait3A_53 = tpu.memref_squeeze %dma_wait3A_52 : memref<1x128xi32, #tpu.memory_space<vmem>> -> memref<128xi32, #tpu.memory_space<vmem>>
      %dma_wait3A_54 = arith.constant 0 : i32
      %dma_wait3A_55 = arith.constant 0 : i32
      %dma_wait3A_56 = tpu.memref_slice %arg4[%dma_wait3A_54, %dma_wait3A_55] : memref<10000x128xf32, #tpu.memory_space<hbm>> -> memref<10000x128xf32, #tpu.memory_space<hbm>>
      tpu.wait_indirect_dma semaphore(%arg12 : memref<!tpu.dma_semaphore, #tpu.memory_space<semaphore_mem>>) src(%dma_wait3A_56 : memref<10000x128xf32, #tpu.memory_space<hbm>>) dst(%arg9 : memref<128x128xf32, #tpu.memory_space<vmem>>)
      %dma_start3A_57 = arith.constant 0 : i32
      %dma_start3A_58 = tpu.memref_slice %arg8[%add3A_38, %dma_start3A_57] : memref<40x128xi32, #tpu.memory_space<vmem>> -> memref<1x128xi32, #tpu.memory_space<vmem>>
      %dma_start3A_59 = tpu.memref_squeeze %dma_start3A_58 : memref<1x128xi32, #tpu.memory_space<vmem>> -> memref<128xi32, #tpu.memory_space<vmem>>
      %dma_start3A_60 = arith.constant 0 : i32
      %dma_start3A_61 = arith.constant 0 : i32
      %dma_start3A_62 = tpu.memref_slice %arg11[%dma_start3A_60, %dma_start3A_61] : memref<10016x128xf32, #tpu.memory_space<vmem_shared>> -> memref<10016x128xf32, #tpu.memory_space<vmem_shared>>
      tpu.enqueue_indirect_dma source(%arg9 : memref<128x128xf32, #tpu.memory_space<vmem>>) target(%dma_start3A_62 : memref<10016x128xf32, #tpu.memory_space<vmem_shared>>) offsets(%dma_start3A_59 : memref<128xi32, #tpu.memory_space<vmem>>) semaphore(%arg14 : memref<!tpu.dma_semaphore, #tpu.memory_space<semaphore_mem>>) {add = true}
      %dma_wait3A_63 = arith.constant 0 : i32
      %dma_wait3A_64 = tpu.memref_slice %arg7[%add3A_45, %dma_wait3A_63] : memref<40x128xi32, #tpu.memory_space<vmem>> -> memref<1x128xi32, #tpu.memory_space<vmem>>
      %dma_wait3A_65 = tpu.memref_squeeze %dma_wait3A_64 : memref<1x128xi32, #tpu.memory_space<vmem>> -> memref<128xi32, #tpu.memory_space<vmem>>
      %dma_wait3A_66 = arith.constant 0 : i32
      %dma_wait3A_67 = arith.constant 0 : i32
      %dma_wait3A_68 = tpu.memref_slice %arg4[%dma_wait3A_66, %dma_wait3A_67] : memref<10000x128xf32, #tpu.memory_space<hbm>> -> memref<10000x128xf32, #tpu.memory_space<hbm>>
      tpu.wait_indirect_dma semaphore(%arg13 : memref<!tpu.dma_semaphore, #tpu.memory_space<semaphore_mem>>) src(%dma_wait3A_68 : memref<10000x128xf32, #tpu.memory_space<hbm>>) dst(%arg10 : memref<128x128xf32, #tpu.memory_space<vmem>>)
      %add3A_69 = arith.constant 1 : i32
      %add3A_70 = arith.addi %add3A_38, %add3A_69 : i32
      %dma_start3A_71 = arith.constant 0 : i32
      %dma_start3A_72 = tpu.memref_slice %arg8[%add3A_70, %dma_start3A_71] : memref<40x128xi32, #tpu.memory_space<vmem>> -> memref<1x128xi32, #tpu.memory_space<vmem>>
      %dma_start3A_73 = tpu.memref_squeeze %dma_start3A_72 : memref<1x128xi32, #tpu.memory_space<vmem>> -> memref<128xi32, #tpu.memory_space<vmem>>
      %dma_start3A_74 = arith.constant 0 : i32
      %dma_start3A_75 = arith.constant 0 : i32
      %dma_start3A_76 = tpu.memref_slice %arg11[%dma_start3A_74, %dma_start3A_75] : memref<10016x128xf32, #tpu.memory_space<vmem_shared>> -> memref<10016x128xf32, #tpu.memory_space<vmem_shared>>
      tpu.enqueue_indirect_dma source(%arg10 : memref<128x128xf32, #tpu.memory_space<vmem>>) target(%dma_start3A_76 : memref<10016x128xf32, #tpu.memory_space<vmem_shared>>) offsets(%dma_start3A_73 : memref<128xi32, #tpu.memory_space<vmem>>) semaphore(%arg15 : memref<!tpu.dma_semaphore, #tpu.memory_space<semaphore_mem>>) {add = true}
      %dma_wait3A_77 = arith.constant 0 : i32
      %dma_wait3A_78 = tpu.memref_slice %arg8[%add3A_38, %dma_wait3A_77] : memref<40x128xi32, #tpu.memory_space<vmem>> -> memref<1x128xi32, #tpu.memory_space<vmem>>
      %dma_wait3A_79 = tpu.memref_squeeze %dma_wait3A_78 : memref<1x128xi32, #tpu.memory_space<vmem>> -> memref<128xi32, #tpu.memory_space<vmem>>
      %dma_wait3A_80 = arith.constant 0 : i32
      %dma_wait3A_81 = arith.constant 0 : i32
      %dma_wait3A_82 = tpu.memref_slice %arg11[%dma_wait3A_80, %dma_wait3A_81] : memref<10016x128xf32, #tpu.memory_space<vmem_shared>> -> memref<10016x128xf32, #tpu.memory_space<vmem_shared>>
      tpu.wait_indirect_dma semaphore(%arg14 : memref<!tpu.dma_semaphore, #tpu.memory_space<semaphore_mem>>) src(%arg9 : memref<128x128xf32, #tpu.memory_space<vmem>>) dst(%dma_wait3A_82 : memref<10016x128xf32, #tpu.memory_space<vmem_shared>>)
      %add3A_83 = arith.constant 2 : i32
      %add3A_84 = arith.addi %add3A_38, %add3A_83 : i32
      %dma_start3A_85 = arith.constant 0 : i32
      %dma_start3A_86 = tpu.memref_slice %arg7[%add3A_84, %dma_start3A_85] : memref<40x128xi32, #tpu.memory_space<vmem>> -> memref<1x128xi32, #tpu.memory_space<vmem>>
      %dma_start3A_87 = tpu.memref_squeeze %dma_start3A_86 : memref<1x128xi32, #tpu.memory_space<vmem>> -> memref<128xi32, #tpu.memory_space<vmem>>
      %dma_start3A_88 = arith.constant 0 : i32
      %dma_start3A_89 = arith.constant 0 : i32
      %dma_start3A_90 = tpu.memref_slice %arg4[%dma_start3A_88, %dma_start3A_89] : memref<10000x128xf32, #tpu.memory_space<hbm>> -> memref<10000x128xf32, #tpu.memory_space<hbm>>
      tpu.enqueue_indirect_dma source(%dma_start3A_90 : memref<10000x128xf32, #tpu.memory_space<hbm>>) target(%arg9 : memref<128x128xf32, #tpu.memory_space<vmem>>) offsets(%dma_start3A_87 : memref<128xi32, #tpu.memory_space<vmem>>) semaphore(%arg12 : memref<!tpu.dma_semaphore, #tpu.memory_space<semaphore_mem>>)
      %dma_wait3A_91 = arith.constant 0 : i32
      %dma_wait3A_92 = tpu.memref_slice %arg8[%add3A_70, %dma_wait3A_91] : memref<40x128xi32, #tpu.memory_space<vmem>> -> memref<1x128xi32, #tpu.memory_space<vmem>>
      %dma_wait3A_93 = tpu.memref_squeeze %dma_wait3A_92 : memref<1x128xi32, #tpu.memory_space<vmem>> -> memref<128xi32, #tpu.memory_space<vmem>>
      %dma_wait3A_94 = arith.constant 0 : i32
      %dma_wait3A_95 = arith.constant 0 : i32
      %dma_wait3A_96 = tpu.memref_slice %arg11[%dma_wait3A_94, %dma_wait3A_95] : memref<10016x128xf32, #tpu.memory_space<vmem_shared>> -> memref<10016x128xf32, #tpu.memory_space<vmem_shared>>
      tpu.wait_indirect_dma semaphore(%arg15 : memref<!tpu.dma_semaphore, #tpu.memory_space<semaphore_mem>>) src(%arg10 : memref<128x128xf32, #tpu.memory_space<vmem>>) dst(%dma_wait3A_96 : memref<10016x128xf32, #tpu.memory_space<vmem_shared>>)
      %add3A_97 = arith.constant 3 : i32
      %add3A_98 = arith.addi %add3A_38, %add3A_97 : i32
      %dma_start3A_99 = arith.constant 0 : i32
      %dma_start3A_100 = tpu.memref_slice %arg7[%add3A_98, %dma_start3A_99] : memref<40x128xi32, #tpu.memory_space<vmem>> -> memref<1x128xi32, #tpu.memory_space<vmem>>
      %dma_start3A_101 = tpu.memref_squeeze %dma_start3A_100 : memref<1x128xi32, #tpu.memory_space<vmem>> -> memref<128xi32, #tpu.memory_space<vmem>>
      %dma_start3A_102 = arith.constant 0 : i32
      %dma_start3A_103 = arith.constant 0 : i32
      %dma_start3A_104 = tpu.memref_slice %arg4[%dma_start3A_102, %dma_start3A_103] : memref<10000x128xf32, #tpu.memory_space<hbm>> -> memref<10000x128xf32, #tpu.memory_space<hbm>>
      tpu.enqueue_indirect_dma source(%dma_start3A_104 : memref<10000x128xf32, #tpu.memory_space<hbm>>) target(%arg10 : memref<128x128xf32, #tpu.memory_space<vmem>>) offsets(%dma_start3A_101 : memref<128xi32, #tpu.memory_space<vmem>>) semaphore(%arg13 : memref<!tpu.dma_semaphore, #tpu.memory_space<semaphore_mem>>)
      %dma_wait3A_105 = arith.constant 0 : i32
      %dma_wait3A_106 = tpu.memref_slice %arg7[%add3A_84, %dma_wait3A_105] : memref<40x128xi32, #tpu.memory_space<vmem>> -> memref<1x128xi32, #tpu.memory_space<vmem>>
      %dma_wait3A_107 = tpu.memref_squeeze %dma_wait3A_106 : memref<1x128xi32, #tpu.memory_space<vmem>> -> memref<128xi32, #tpu.memory_space<vmem>>
      %dma_wait3A_108 = arith.constant 0 : i32
      %dma_wait3A_109 = arith.constant 0 : i32
      %dma_wait3A_110 = tpu.memref_slice %arg4[%dma_wait3A_108, %dma_wait3A_109] : memref<10000x128xf32, #tpu.memory_space<hbm>> -> memref<10000x128xf32, #tpu.memory_space<hbm>>
      tpu.wait_indirect_dma semaphore(%arg12 : memref<!tpu.dma_semaphore, #tpu.memory_space<semaphore_mem>>) src(%dma_wait3A_110 : memref<10000x128xf32, #tpu.memory_space<hbm>>) dst(%arg9 : memref<128x128xf32, #tpu.memory_space<vmem>>)
      %add3A_111 = arith.constant 2 : i32
      %add3A_112 = arith.addi %add3A_38, %add3A_111 : i32
      %dma_start3A_113 = arith.constant 0 : i32
      %dma_start3A_114 = tpu.memref_slice %arg8[%add3A_112, %dma_start3A_113] : memref<40x128xi32, #tpu.memory_space<vmem>> -> memref<1x128xi32, #tpu.memory_space<vmem>>
      %dma_start3A_115 = tpu.memref_squeeze %dma_start3A_114 : memref<1x128xi32, #tpu.memory_space<vmem>> -> memref<128xi32, #tpu.memory_space<vmem>>
      %dma_start3A_116 = arith.constant 0 : i32
      %dma_start3A_117 = arith.constant 0 : i32
      %dma_start3A_118 = tpu.memref_slice %arg11[%dma_start3A_116, %dma_start3A_117] : memref<10016x128xf32, #tpu.memory_space<vmem_shared>> -> memref<10016x128xf32, #tpu.memory_space<vmem_shared>>
      tpu.enqueue_indirect_dma source(%arg9 : memref<128x128xf32, #tpu.memory_space<vmem>>) target(%dma_start3A_118 : memref<10016x128xf32, #tpu.memory_space<vmem_shared>>) offsets(%dma_start3A_115 : memref<128xi32, #tpu.memory_space<vmem>>) semaphore(%arg14 : memref<!tpu.dma_semaphore, #tpu.memory_space<semaphore_mem>>) {add = true}
      %dma_wait3A_119 = arith.constant 0 : i32
      %dma_wait3A_120 = tpu.memref_slice %arg7[%add3A_98, %dma_wait3A_119] : memref<40x128xi32, #tpu.memory_space<vmem>> -> memref<1x128xi32, #tpu.memory_space<vmem>>
      %dma_wait3A_121 = tpu.memref_squeeze %dma_wait3A_120 : memref<1x128xi32, #tpu.memory_space<vmem>> -> memref<128xi32, #tpu.memory_space<vmem>>
      %dma_wait3A_122 = arith.constant 0 : i32
      %dma_wait3A_123 = arith.constant 0 : i32
      %dma_wait3A_124 = tpu.memref_slice %arg4[%dma_wait3A_122, %dma_wait3A_123] : memref<10000x128xf32, #tpu.memory_space<hbm>> -> memref<10000x128xf32, #tpu.memory_space<hbm>>
      tpu.wait_indirect_dma semaphore(%arg13 : memref<!tpu.dma_semaphore, #tpu.memory_space<semaphore_mem>>) src(%dma_wait3A_124 : memref<10000x128xf32, #tpu.memory_space<hbm>>) dst(%arg10 : memref<128x128xf32, #tpu.memory_space<vmem>>)
      %add3A_125 = arith.constant 3 : i32
      %add3A_126 = arith.addi %add3A_38, %add3A_125 : i32
      %dma_start3A_127 = arith.constant 0 : i32
      %dma_start3A_128 = tpu.memref_slice %arg8[%add3A_126, %dma_start3A_127] : memref<40x128xi32, #tpu.memory_space<vmem>> -> memref<1x128xi32, #tpu.memory_space<vmem>>
      %dma_start3A_129 = tpu.memref_squeeze %dma_start3A_128 : memref<1x128xi32, #tpu.memory_space<vmem>> -> memref<128xi32, #tpu.memory_space<vmem>>
      %dma_start3A_130 = arith.constant 0 : i32
      %dma_start3A_131 = arith.constant 0 : i32
      %dma_start3A_132 = tpu.memref_slice %arg11[%dma_start3A_130, %dma_start3A_131] : memref<10016x128xf32, #tpu.memory_space<vmem_shared>> -> memref<10016x128xf32, #tpu.memory_space<vmem_shared>>
      tpu.enqueue_indirect_dma source(%arg10 : memref<128x128xf32, #tpu.memory_space<vmem>>) target(%dma_start3A_132 : memref<10016x128xf32, #tpu.memory_space<vmem_shared>>) offsets(%dma_start3A_129 : memref<128xi32, #tpu.memory_space<vmem>>) semaphore(%arg15 : memref<!tpu.dma_semaphore, #tpu.memory_space<semaphore_mem>>) {add = true}
      %dma_wait3A_133 = arith.constant 0 : i32
      %dma_wait3A_134 = tpu.memref_slice %arg8[%add3A_112, %dma_wait3A_133] : memref<40x128xi32, #tpu.memory_space<vmem>> -> memref<1x128xi32, #tpu.memory_space<vmem>>
      %dma_wait3A_135 = tpu.memref_squeeze %dma_wait3A_134 : memref<1x128xi32, #tpu.memory_space<vmem>> -> memref<128xi32, #tpu.memory_space<vmem>>
      %dma_wait3A_136 = arith.constant 0 : i32
      %dma_wait3A_137 = arith.constant 0 : i32
      %dma_wait3A_138 = tpu.memref_slice %arg11[%dma_wait3A_136, %dma_wait3A_137] : memref<10016x128xf32, #tpu.memory_space<vmem_shared>> -> memref<10016x128xf32, #tpu.memory_space<vmem_shared>>
      tpu.wait_indirect_dma semaphore(%arg14 : memref<!tpu.dma_semaphore, #tpu.memory_space<semaphore_mem>>) src(%arg9 : memref<128x128xf32, #tpu.memory_space<vmem>>) dst(%dma_wait3A_138 : memref<10016x128xf32, #tpu.memory_space<vmem_shared>>)
      %dma_wait3A_139 = arith.constant 0 : i32
      %dma_wait3A_140 = tpu.memref_slice %arg8[%add3A_126, %dma_wait3A_139] : memref<40x128xi32, #tpu.memory_space<vmem>> -> memref<1x128xi32, #tpu.memory_space<vmem>>
      %dma_wait3A_141 = tpu.memref_squeeze %dma_wait3A_140 : memref<1x128xi32, #tpu.memory_space<vmem>> -> memref<128xi32, #tpu.memory_space<vmem>>
      %dma_wait3A_142 = arith.constant 0 : i32
      %dma_wait3A_143 = arith.constant 0 : i32
      %dma_wait3A_144 = tpu.memref_slice %arg11[%dma_wait3A_142, %dma_wait3A_143] : memref<10016x128xf32, #tpu.memory_space<vmem_shared>> -> memref<10016x128xf32, #tpu.memory_space<vmem_shared>>
      tpu.wait_indirect_dma semaphore(%arg15 : memref<!tpu.dma_semaphore, #tpu.memory_space<semaphore_mem>>) src(%arg10 : memref<128x128xf32, #tpu.memory_space<vmem>>) dst(%dma_wait3A_144 : memref<10016x128xf32, #tpu.memory_space<vmem_shared>>)
    }
    %scan3A_23 = arith.constant 10 : i32
    %barrier3A_24 = arith.constant 0 : index
    tpu.barrier barrier_id(%barrier3A_24)
    %mul3A_25 = arith.constant 624 : i32
    %mul3A_26 = arith.muli %arg1, %mul3A_25 : i32
    %mul3A_27 = arith.constant 624 : i32
    %mul3A_28 = arith.muli %arg1, %mul3A_27 : i32
    "tpu.region"() ({
      %run_scoped3A = tpu.sem_alloc : memref<!tpu.dma_semaphore, #tpu.memory_space<semaphore_mem>>
      %dma_start3A = arith.constant 0 : i32
      %dma_start3A_34 = tpu.memref_slice %arg6[%arg0, %mul3A_28, %dma_start3A] : memref<2x10000x128xf32, #tpu.memory_space<hbm>> -> memref<1x624x128xf32, #tpu.memory_space<hbm>>
      %dma_start3A_35 = tpu.memref_squeeze %dma_start3A_34 : memref<1x624x128xf32, #tpu.memory_space<hbm>> -> memref<624x128xf32, #tpu.memory_space<hbm>>
      %dma_start3A_36 = arith.constant 0 : i32
      %dma_start3A_37 = tpu.memref_slice %arg11[%mul3A_26, %dma_start3A_36] : memref<10016x128xf32, #tpu.memory_space<vmem_shared>> -> memref<624x128xf32, #tpu.memory_space<vmem_shared>>
      tpu.enqueue_dma source(%dma_start3A_37 : memref<624x128xf32, #tpu.memory_space<vmem_shared>>) target(%dma_start3A_35 : memref<624x128xf32, #tpu.memory_space<hbm>>) target_semaphore(%run_scoped3A : memref<!tpu.dma_semaphore, #tpu.memory_space<semaphore_mem>>)
      %dma_wait3A = arith.constant 0 : i32
      %dma_wait3A_38 = tpu.memref_slice %arg6[%arg0, %mul3A_28, %dma_wait3A] : memref<2x10000x128xf32, #tpu.memory_space<hbm>> -> memref<1x624x128xf32, #tpu.memory_space<hbm>>
      %dma_wait3A_39 = tpu.memref_squeeze %dma_wait3A_38 : memref<1x624x128xf32, #tpu.memory_space<hbm>> -> memref<624x128xf32, #tpu.memory_space<hbm>>
      %dma_wait3A_40 = arith.constant 0 : i32
      %dma_wait3A_41 = tpu.memref_slice %arg11[%mul3A_26, %dma_wait3A_40] : memref<10016x128xf32, #tpu.memory_space<vmem_shared>> -> memref<624x128xf32, #tpu.memory_space<vmem_shared>>
      tpu.wait_dma2 semaphore(%run_scoped3A : memref<!tpu.dma_semaphore, #tpu.memory_space<semaphore_mem>>) src(%dma_wait3A_41 : memref<624x128xf32, #tpu.memory_space<vmem_shared>>) dst(%dma_wait3A_39 : memref<624x128xf32, #tpu.memory_space<hbm>>)
      tpu.yield
    }) : () -> ()
    %eq3A_29 = arith.constant 15 : i32
    %eq3A_30 = arith.cmpi eq, %arg1, %eq3A_29 : i32
    %convert_element_type3A_31 = arith.extui %eq3A_30 : i1 to i32
    %cond3A_32 = arith.constant 0 : i32
    %cond3A_33 = arith.cmpi ne, %convert_element_type3A_31, %cond3A_32 : i32
    scf.if %cond3A_33 {
      "tpu.region"() ({
        %run_scoped3A = tpu.sem_alloc : memref<!tpu.dma_semaphore, #tpu.memory_space<semaphore_mem>>
        %dma_start3A = arith.constant 9984 : i32
        %dma_start3A_34 = arith.constant 0 : i32
        %dma_start3A_35 = tpu.memref_slice %arg6[%arg0, %dma_start3A, %dma_start3A_34] : memref<2x10000x128xf32, #tpu.memory_space<hbm>> -> memref<1x16x128xf32, #tpu.memory_space<hbm>>
        %dma_start3A_36 = tpu.memref_squeeze %dma_start3A_35 : memref<1x16x128xf32, #tpu.memory_space<hbm>> -> memref<16x128xf32, #tpu.memory_space<hbm>>
        %dma_start3A_37 = arith.constant 9984 : i32
        %dma_start3A_38 = arith.constant 0 : i32
        %dma_start3A_39 = tpu.memref_slice %arg11[%dma_start3A_37, %dma_start3A_38] : memref<10016x128xf32, #tpu.memory_space<vmem_shared>> -> memref<16x128xf32, #tpu.memory_space<vmem_shared>>
        tpu.enqueue_dma source(%dma_start3A_39 : memref<16x128xf32, #tpu.memory_space<vmem_shared>>) target(%dma_start3A_36 : memref<16x128xf32, #tpu.memory_space<hbm>>) target_semaphore(%run_scoped3A : memref<!tpu.dma_semaphore, #tpu.memory_space<semaphore_mem>>)
        %dma_wait3A = arith.constant 9984 : i32
        %dma_wait3A_40 = arith.constant 0 : i32
        %dma_wait3A_41 = tpu.memref_slice %arg6[%arg0, %dma_wait3A, %dma_wait3A_40] : memref<2x10000x128xf32, #tpu.memory_space<hbm>> -> memref<1x16x128xf32, #tpu.memory_space<hbm>>
        %dma_wait3A_42 = tpu.memref_squeeze %dma_wait3A_41 : memref<1x16x128xf32, #tpu.memory_space<hbm>> -> memref<16x128xf32, #tpu.memory_space<hbm>>
        %dma_wait3A_43 = arith.constant 9984 : i32
        %dma_wait3A_44 = arith.constant 0 : i32
        %dma_wait3A_45 = tpu.memref_slice %arg11[%dma_wait3A_43, %dma_wait3A_44] : memref<10016x128xf32, #tpu.memory_space<vmem_shared>> -> memref<16x128xf32, #tpu.memory_space<vmem_shared>>
        tpu.wait_dma2 semaphore(%run_scoped3A : memref<!tpu.dma_semaphore, #tpu.memory_space<semaphore_mem>>) src(%dma_wait3A_45 : memref<16x128xf32, #tpu.memory_space<vmem_shared>>) dst(%dma_wait3A_42 : memref<16x128xf32, #tpu.memory_space<hbm>>)
        tpu.yield
      }) : () -> ()
    } else {
    }
    return
  }
}

module attributes {stable_mosaic.version = 14 : i64} {
  func.func @_dense_body(%arg0: memref<2x10000x128xf32, #tpu.memory_space<vmem>>, %arg1: memref<10000x128xf32, #tpu.memory_space<vmem>>, %arg2: memref<1x128xf32, #tpu.memory_space<vmem>>, %arg3: memref<1x128xf32, #tpu.memory_space<vmem>>, %arg4: memref<128x128xf32, #tpu.memory_space<vmem>>, %arg5: memref<1x128xf32, #tpu.memory_space<vmem>>, %arg6: memref<128x128xf32, #tpu.memory_space<vmem>>, %arg7: memref<1x128xf32, #tpu.memory_space<vmem>>, %arg8: memref<128x256xf32, #tpu.memory_space<vmem>>, %arg9: memref<1x256xf32, #tpu.memory_space<vmem>>, %arg10: memref<1x1xf32, #tpu.memory_space<vmem>>, %arg11: memref<1x128xf32, #tpu.memory_space<vmem>>, %arg12: memref<128x128xf32, #tpu.memory_space<vmem>>, %arg13: memref<1x128xf32, #tpu.memory_space<vmem>>, %arg14: memref<128x256xf32, #tpu.memory_space<vmem>>, %arg15: memref<1x256xf32, #tpu.memory_space<vmem>>, %arg16: memref<1x1xf32, #tpu.memory_space<vmem>>, %arg17: memref<1x128xf32, #tpu.memory_space<vmem>>, %arg18: memref<10000x128xf32, #tpu.memory_space<vmem>>) attributes {dimension_semantics = [], scalar_prefetch = 0 : i64, scratch_operands = 0 : i64, tpu.core_type = #tpu.core_type<tc>} {
    %get3A = arith.constant 0 : index
    %get3A_0 = arith.constant 0 : index
    %get3A_1 = vector.load %arg2[%get3A, %get3A_0] : memref<1x128xf32, #tpu.memory_space<vmem>>, vector<1x128xf32>
    %get3A_2 = arith.constant 0 : index
    %get3A_3 = arith.constant 0 : index
    %get3A_4 = arith.constant 0 : index
    %get3A_5 = vector.load %arg0[%get3A_2, %get3A_3, %get3A_4] : memref<2x10000x128xf32, #tpu.memory_space<vmem>>, vector<1x10000x128xf32>
    %get3A_6 = vector.shape_cast %get3A_5 : vector<1x10000x128xf32> to vector<10000x128xf32>
    %get3A_7 = arith.constant 1 : index
    %get3A_8 = arith.constant 0 : index
    %get3A_9 = arith.constant 0 : index
    %get3A_10 = vector.load %arg0[%get3A_7, %get3A_8, %get3A_9] : memref<2x10000x128xf32, #tpu.memory_space<vmem>>, vector<1x10000x128xf32>
    %get3A_11 = vector.shape_cast %get3A_10 : vector<1x10000x128xf32> to vector<10000x128xf32>
    %add3A = arith.addf %get3A_6, %get3A_11 : vector<10000x128xf32>
    %get3A_12 = arith.constant 0 : index
    %get3A_13 = arith.constant 0 : index
    %get3A_14 = vector.load %arg3[%get3A_12, %get3A_13] : memref<1x128xf32, #tpu.memory_space<vmem>>, vector<1x128xf32>
    %add3A_15 = vector.broadcast %get3A_14 : vector<1x128xf32> to vector<10000x128xf32>
    %add3A_16 = arith.addf %add3A, %add3A_15 : vector<10000x128xf32>
    %get3A_17 = arith.constant 0 : index
    %get3A_18 = arith.constant 0 : index
    %get3A_19 = vector.load %arg4[%get3A_17, %get3A_18] : memref<128x128xf32, #tpu.memory_space<vmem>>, vector<128x128xf32>
    %dot_general3A = arith.constant dense<0.000000e+00> : vector<10000x128xf32>
    %dot_general3A_20 = tpu.matmul %add3A_16, %get3A_19, %dot_general3A {dimension_numbers = #tpu.dot_dimension_numbers<[1], [0], [0], [1], [0, 0, 1, 1], [], []>, transpose_lhs_hint = false} : vector<10000x128xf32>, vector<128x128xf32>, vector<10000x128xf32> -> vector<10000x128xf32>
    %add3A_21 = arith.addf %add3A_16, %dot_general3A_20 : vector<10000x128xf32>
    %get3A_22 = arith.constant 0 : index
    %get3A_23 = arith.constant 0 : index
    %get3A_24 = vector.load %arg5[%get3A_22, %get3A_23] : memref<1x128xf32, #tpu.memory_space<vmem>>, vector<1x128xf32>
    %add3A_25 = vector.broadcast %get3A_24 : vector<1x128xf32> to vector<10000x128xf32>
    %add3A_26 = arith.addf %add3A_21, %add3A_25 : vector<10000x128xf32>
    %get3A_27 = arith.constant 0 : index
    %get3A_28 = arith.constant 0 : index
    %get3A_29 = vector.load %arg1[%get3A_27, %get3A_28] : memref<10000x128xf32, #tpu.memory_space<vmem>>, vector<10000x128xf32>
    %add3A_30 = arith.addf %add3A_26, %get3A_29 : vector<10000x128xf32>
    %max3A = arith.constant 0.000000e+00 : f32
    %max3A_31 = vector.broadcast %max3A : f32 to vector<10000x128xf32>
    %max3A_32 = arith.maximumf %add3A_30, %max3A_31 : vector<10000x128xf32>
    %get3A_33 = arith.constant 0 : index
    %get3A_34 = arith.constant 0 : index
    %get3A_35 = vector.load %arg6[%get3A_33, %get3A_34] : memref<128x128xf32, #tpu.memory_space<vmem>>, vector<128x128xf32>
    %get3A_36 = arith.constant 0 : index
    %get3A_37 = arith.constant 0 : index
    %get3A_38 = vector.load %arg7[%get3A_36, %get3A_37] : memref<1x128xf32, #tpu.memory_space<vmem>>, vector<1x128xf32>
    %get3A_39 = arith.constant 0 : index
    %get3A_40 = arith.constant 0 : index
    %get3A_41 = vector.load %arg8[%get3A_39, %get3A_40] : memref<128x256xf32, #tpu.memory_space<vmem>>, vector<128x256xf32>
    %get3A_42 = arith.constant 0 : index
    %get3A_43 = arith.constant 0 : index
    %get3A_44 = vector.load %arg9[%get3A_42, %get3A_43] : memref<1x256xf32, #tpu.memory_space<vmem>>, vector<1x256xf32>
    %get3A_45 = arith.constant 0 : index
    %get3A_46 = arith.constant 0 : index
    %get3A_47 = vector.load %arg10[%get3A_45, %get3A_46] : memref<1x1xf32, #tpu.memory_space<vmem>>, vector<1x1xf32>
    %get3A_48 = arith.constant 0 : index
    %get3A_49 = arith.constant 0 : index
    %get3A_50 = vector.load %arg11[%get3A_48, %get3A_49] : memref<1x128xf32, #tpu.memory_space<vmem>>, vector<1x128xf32>
    %dot_general3A_51 = arith.constant dense<0.000000e+00> : vector<10000x128xf32>
    %dot_general3A_52 = tpu.matmul %max3A_32, %get3A_35, %dot_general3A_51 {dimension_numbers = #tpu.dot_dimension_numbers<[1], [0], [0], [1], [0, 0, 1, 1], [], []>, transpose_lhs_hint = false} : vector<10000x128xf32>, vector<128x128xf32>, vector<10000x128xf32> -> vector<10000x128xf32>
    %add3A_53 = vector.broadcast %get3A_38 : vector<1x128xf32> to vector<10000x128xf32>
    %add3A_54 = arith.addf %dot_general3A_52, %add3A_53 : vector<10000x128xf32>
    %mul3A = vector.broadcast %get3A_47 : vector<1x1xf32> to vector<1x128xf32>
    %mul3A_55 = arith.mulf %get3A_50, %mul3A : vector<1x128xf32>
    %add3A_56 = vector.broadcast %mul3A_55 : vector<1x128xf32> to vector<10000x128xf32>
    %add3A_57 = arith.addf %add3A_54, %add3A_56 : vector<10000x128xf32>
    %dot_general3A_58 = arith.constant dense<0.000000e+00> : vector<1x256xf32>
    %dot_general3A_59 = tpu.matmul %get3A_1, %get3A_41, %dot_general3A_58 {dimension_numbers = #tpu.dot_dimension_numbers<[1], [0], [0], [1], [0, 0, 1, 1], [], []>, transpose_lhs_hint = false} : vector<1x128xf32>, vector<128x256xf32>, vector<1x256xf32> -> vector<1x256xf32>
    %add3A_60 = arith.addf %dot_general3A_59, %get3A_44 : vector<1x256xf32>
    %slice3A = vector.extract_strided_slice %add3A_60 {offsets = [0, 0], sizes = [1, 128], strides = [1, 1]} : vector<1x256xf32> to vector<1x128xf32>
    %slice3A_61 = vector.extract_strided_slice %add3A_60 {offsets = [0, 128], sizes = [1, 128], strides = [1, 1]} : vector<1x256xf32> to vector<1x128xf32>
    %reduce_sum3A = arith.constant dense<0.000000e+00> : vector<128xf32>
    %reduce_sum3A_62 = vector.multi_reduction <add>, %add3A_57, %reduce_sum3A [0] : vector<10000x128xf32> to vector<128xf32>
    %broadcast_in_dim3A = vector.shape_cast %reduce_sum3A_62 : vector<128xf32> to vector<1x128xf32>
    %div3A = arith.constant 1.000000e+04 : f32
    %div3A_63 = vector.broadcast %div3A : f32 to vector<1x128xf32>
    %div3A_64 = arith.divf %broadcast_in_dim3A, %div3A_63 : vector<1x128xf32>
    %sub3A = vector.broadcast %div3A_64 : vector<1x128xf32> to vector<10000x128xf32>
    %sub3A_65 = arith.subf %add3A_57, %sub3A : vector<10000x128xf32>
    %integer_pow3A = arith.mulf %sub3A_65, %sub3A_65 : vector<10000x128xf32>
    %reduce_sum3A_66 = arith.constant dense<0.000000e+00> : vector<128xf32>
    %reduce_sum3A_67 = vector.multi_reduction <add>, %integer_pow3A, %reduce_sum3A_66 [0] : vector<10000x128xf32> to vector<128xf32>
    %broadcast_in_dim3A_68 = vector.shape_cast %reduce_sum3A_67 : vector<128xf32> to vector<1x128xf32>
    %div3A_69 = arith.constant 1.000000e+04 : f32
    %div3A_70 = vector.broadcast %div3A_69 : f32 to vector<1x128xf32>
    %div3A_71 = arith.divf %broadcast_in_dim3A_68, %div3A_70 : vector<1x128xf32>
    %sub3A_72 = vector.broadcast %div3A_64 : vector<1x128xf32> to vector<10000x128xf32>
    %sub3A_73 = arith.subf %add3A_57, %sub3A_72 : vector<10000x128xf32>
    %add3A_74 = arith.constant 9.99999974E-6 : f32
    %add3A_75 = vector.broadcast %add3A_74 : f32 to vector<1x128xf32>
    %add3A_76 = arith.addf %div3A_71, %add3A_75 : vector<1x128xf32>
    %sqrt3A = math.sqrt %add3A_76 : vector<1x128xf32>
    %div3A_77 = vector.broadcast %sqrt3A : vector<1x128xf32> to vector<10000x128xf32>
    %div3A_78 = arith.divf %sub3A_73, %div3A_77 : vector<10000x128xf32>
    %mul3A_79 = vector.broadcast %slice3A : vector<1x128xf32> to vector<10000x128xf32>
    %mul3A_80 = arith.mulf %mul3A_79, %div3A_78 : vector<10000x128xf32>
    %add3A_81 = vector.broadcast %slice3A_61 : vector<1x128xf32> to vector<10000x128xf32>
    %add3A_82 = arith.addf %mul3A_80, %add3A_81 : vector<10000x128xf32>
    %ge3A = arith.constant 0.000000e+00 : f32
    %ge3A_83 = vector.broadcast %ge3A : f32 to vector<10000x128xf32>
    %ge3A_84 = arith.cmpf oge, %add3A_82, %ge3A_83 : vector<10000x128xf32>
    %mul3A_85 = arith.constant 0.00999999977 : f32
    %mul3A_86 = vector.broadcast %mul3A_85 : f32 to vector<10000x128xf32>
    %mul3A_87 = arith.mulf %mul3A_86, %add3A_82 : vector<10000x128xf32>
    %select_n3A = arith.select %ge3A_84, %add3A_82, %mul3A_87 : vector<10000x128xi1>, vector<10000x128xf32>
    %get3A_88 = arith.constant 0 : index
    %get3A_89 = arith.constant 0 : index
    %get3A_90 = vector.load %arg12[%get3A_88, %get3A_89] : memref<128x128xf32, #tpu.memory_space<vmem>>, vector<128x128xf32>
    %get3A_91 = arith.constant 0 : index
    %get3A_92 = arith.constant 0 : index
    %get3A_93 = vector.load %arg13[%get3A_91, %get3A_92] : memref<1x128xf32, #tpu.memory_space<vmem>>, vector<1x128xf32>
    %get3A_94 = arith.constant 0 : index
    %get3A_95 = arith.constant 0 : index
    %get3A_96 = vector.load %arg14[%get3A_94, %get3A_95] : memref<128x256xf32, #tpu.memory_space<vmem>>, vector<128x256xf32>
    %get3A_97 = arith.constant 0 : index
    %get3A_98 = arith.constant 0 : index
    %get3A_99 = vector.load %arg15[%get3A_97, %get3A_98] : memref<1x256xf32, #tpu.memory_space<vmem>>, vector<1x256xf32>
    %get3A_100 = arith.constant 0 : index
    %get3A_101 = arith.constant 0 : index
    %get3A_102 = vector.load %arg16[%get3A_100, %get3A_101] : memref<1x1xf32, #tpu.memory_space<vmem>>, vector<1x1xf32>
    %get3A_103 = arith.constant 0 : index
    %get3A_104 = arith.constant 0 : index
    %get3A_105 = vector.load %arg17[%get3A_103, %get3A_104] : memref<1x128xf32, #tpu.memory_space<vmem>>, vector<1x128xf32>
    %dot_general3A_106 = arith.constant dense<0.000000e+00> : vector<10000x128xf32>
    %dot_general3A_107 = tpu.matmul %select_n3A, %get3A_90, %dot_general3A_106 {dimension_numbers = #tpu.dot_dimension_numbers<[1], [0], [0], [1], [0, 0, 1, 1], [], []>, transpose_lhs_hint = false} : vector<10000x128xf32>, vector<128x128xf32>, vector<10000x128xf32> -> vector<10000x128xf32>
    %add3A_108 = vector.broadcast %get3A_93 : vector<1x128xf32> to vector<10000x128xf32>
    %add3A_109 = arith.addf %dot_general3A_107, %add3A_108 : vector<10000x128xf32>
    %mul3A_110 = vector.broadcast %get3A_102 : vector<1x1xf32> to vector<1x128xf32>
    %mul3A_111 = arith.mulf %get3A_105, %mul3A_110 : vector<1x128xf32>
    %add3A_112 = vector.broadcast %mul3A_111 : vector<1x128xf32> to vector<10000x128xf32>
    %add3A_113 = arith.addf %add3A_109, %add3A_112 : vector<10000x128xf32>
    %dot_general3A_114 = arith.constant dense<0.000000e+00> : vector<1x256xf32>
    %dot_general3A_115 = tpu.matmul %get3A_1, %get3A_96, %dot_general3A_114 {dimension_numbers = #tpu.dot_dimension_numbers<[1], [0], [0], [1], [0, 0, 1, 1], [], []>, transpose_lhs_hint = false} : vector<1x128xf32>, vector<128x256xf32>, vector<1x256xf32> -> vector<1x256xf32>
    %add3A_116 = arith.addf %dot_general3A_115, %get3A_99 : vector<1x256xf32>
    %slice3A_117 = vector.extract_strided_slice %add3A_116 {offsets = [0, 0], sizes = [1, 128], strides = [1, 1]} : vector<1x256xf32> to vector<1x128xf32>
    %slice3A_118 = vector.extract_strided_slice %add3A_116 {offsets = [0, 128], sizes = [1, 128], strides = [1, 1]} : vector<1x256xf32> to vector<1x128xf32>
    %reduce_sum3A_119 = arith.constant dense<0.000000e+00> : vector<128xf32>
    %reduce_sum3A_120 = vector.multi_reduction <add>, %add3A_113, %reduce_sum3A_119 [0] : vector<10000x128xf32> to vector<128xf32>
    %broadcast_in_dim3A_121 = vector.shape_cast %reduce_sum3A_120 : vector<128xf32> to vector<1x128xf32>
    %div3A_122 = arith.constant 1.000000e+04 : f32
    %div3A_123 = vector.broadcast %div3A_122 : f32 to vector<1x128xf32>
    %div3A_124 = arith.divf %broadcast_in_dim3A_121, %div3A_123 : vector<1x128xf32>
    %sub3A_125 = vector.broadcast %div3A_124 : vector<1x128xf32> to vector<10000x128xf32>
    %sub3A_126 = arith.subf %add3A_113, %sub3A_125 : vector<10000x128xf32>
    %integer_pow3A_127 = arith.mulf %sub3A_126, %sub3A_126 : vector<10000x128xf32>
    %reduce_sum3A_128 = arith.constant dense<0.000000e+00> : vector<128xf32>
    %reduce_sum3A_129 = vector.multi_reduction <add>, %integer_pow3A_127, %reduce_sum3A_128 [0] : vector<10000x128xf32> to vector<128xf32>
    %broadcast_in_dim3A_130 = vector.shape_cast %reduce_sum3A_129 : vector<128xf32> to vector<1x128xf32>
    %div3A_131 = arith.constant 1.000000e+04 : f32
    %div3A_132 = vector.broadcast %div3A_131 : f32 to vector<1x128xf32>
    %div3A_133 = arith.divf %broadcast_in_dim3A_130, %div3A_132 : vector<1x128xf32>
    %sub3A_134 = vector.broadcast %div3A_124 : vector<1x128xf32> to vector<10000x128xf32>
    %sub3A_135 = arith.subf %add3A_113, %sub3A_134 : vector<10000x128xf32>
    %add3A_136 = arith.constant 9.99999974E-6 : f32
    %add3A_137 = vector.broadcast %add3A_136 : f32 to vector<1x128xf32>
    %add3A_138 = arith.addf %div3A_133, %add3A_137 : vector<1x128xf32>
    %sqrt3A_139 = math.sqrt %add3A_138 : vector<1x128xf32>
    %div3A_140 = vector.broadcast %sqrt3A_139 : vector<1x128xf32> to vector<10000x128xf32>
    %div3A_141 = arith.divf %sub3A_135, %div3A_140 : vector<10000x128xf32>
    %mul3A_142 = vector.broadcast %slice3A_117 : vector<1x128xf32> to vector<10000x128xf32>
    %mul3A_143 = arith.mulf %mul3A_142, %div3A_141 : vector<10000x128xf32>
    %add3A_144 = vector.broadcast %slice3A_118 : vector<1x128xf32> to vector<10000x128xf32>
    %add3A_145 = arith.addf %mul3A_143, %add3A_144 : vector<10000x128xf32>
    %ge3A_146 = arith.constant 0.000000e+00 : f32
    %ge3A_147 = vector.broadcast %ge3A_146 : f32 to vector<10000x128xf32>
    %ge3A_148 = arith.cmpf oge, %add3A_145, %ge3A_147 : vector<10000x128xf32>
    %mul3A_149 = arith.constant 0.00999999977 : f32
    %mul3A_150 = vector.broadcast %mul3A_149 : f32 to vector<10000x128xf32>
    %mul3A_151 = arith.mulf %mul3A_150, %add3A_145 : vector<10000x128xf32>
    %select_n3A_152 = arith.select %ge3A_148, %add3A_145, %mul3A_151 : vector<10000x128xi1>, vector<10000x128xf32>
    %swap3A = arith.constant 0 : index
    %swap3A_153 = arith.constant 0 : index
    %swap3A_154 = vector.load %arg18[%swap3A, %swap3A_153] : memref<10000x128xf32, #tpu.memory_space<vmem>>, vector<10000x128xf32>
    tpu.vector_store %arg18[%swap3A, %swap3A_153], %select_n3A_152 {strides = array<i32>} : memref<10000x128xf32, #tpu.memory_space<vmem>>, vector<10000x128xf32>,
    return
  }
}

module attributes {stable_mosaic.version = 14 : i64} {
  func.func @_xn_body(%arg0: memref<10000x128xf32, #tpu.memory_space<vmem>>, %arg1: memref<1x128xf32, #tpu.memory_space<vmem>>, %arg2: memref<128x128xf32, #tpu.memory_space<vmem>>, %arg3: memref<1x128xf32, #tpu.memory_space<vmem>>, %arg4: memref<128x256xf32, #tpu.memory_space<vmem>>, %arg5: memref<1x256xf32, #tpu.memory_space<vmem>>, %arg6: memref<1x1xf32, #tpu.memory_space<vmem>>, %arg7: memref<1x128xf32, #tpu.memory_space<vmem>>, %arg8: memref<128x128xf32, #tpu.memory_space<vmem>>, %arg9: memref<1x128xf32, #tpu.memory_space<vmem>>, %arg10: memref<10000x128xf32, #tpu.memory_space<vmem>>) attributes {dimension_semantics = [], scalar_prefetch = 0 : i64, scratch_operands = 0 : i64, tpu.core_type = #tpu.core_type<tc>} {
    %get3A = arith.constant 0 : index
    %get3A_0 = arith.constant 0 : index
    %get3A_1 = vector.load %arg0[%get3A, %get3A_0] : memref<10000x128xf32, #tpu.memory_space<vmem>>, vector<10000x128xf32>
    %get3A_2 = arith.constant 0 : index
    %get3A_3 = arith.constant 0 : index
    %get3A_4 = vector.load %arg1[%get3A_2, %get3A_3] : memref<1x128xf32, #tpu.memory_space<vmem>>, vector<1x128xf32>
    %get3A_5 = arith.constant 0 : index
    %get3A_6 = arith.constant 0 : index
    %get3A_7 = vector.load %arg2[%get3A_5, %get3A_6] : memref<128x128xf32, #tpu.memory_space<vmem>>, vector<128x128xf32>
    %get3A_8 = arith.constant 0 : index
    %get3A_9 = arith.constant 0 : index
    %get3A_10 = vector.load %arg3[%get3A_8, %get3A_9] : memref<1x128xf32, #tpu.memory_space<vmem>>, vector<1x128xf32>
    %get3A_11 = arith.constant 0 : index
    %get3A_12 = arith.constant 0 : index
    %get3A_13 = vector.load %arg4[%get3A_11, %get3A_12] : memref<128x256xf32, #tpu.memory_space<vmem>>, vector<128x256xf32>
    %get3A_14 = arith.constant 0 : index
    %get3A_15 = arith.constant 0 : index
    %get3A_16 = vector.load %arg5[%get3A_14, %get3A_15] : memref<1x256xf32, #tpu.memory_space<vmem>>, vector<1x256xf32>
    %get3A_17 = arith.constant 0 : index
    %get3A_18 = arith.constant 0 : index
    %get3A_19 = vector.load %arg6[%get3A_17, %get3A_18] : memref<1x1xf32, #tpu.memory_space<vmem>>, vector<1x1xf32>
    %get3A_20 = arith.constant 0 : index
    %get3A_21 = arith.constant 0 : index
    %get3A_22 = vector.load %arg7[%get3A_20, %get3A_21] : memref<1x128xf32, #tpu.memory_space<vmem>>, vector<1x128xf32>
    %dot_general3A = arith.constant dense<0.000000e+00> : vector<10000x128xf32>
    %dot_general3A_23 = tpu.matmul %get3A_1, %get3A_7, %dot_general3A {dimension_numbers = #tpu.dot_dimension_numbers<[1], [0], [0], [1], [0, 0, 1, 1], [], []>, transpose_lhs_hint = false} : vector<10000x128xf32>, vector<128x128xf32>, vector<10000x128xf32> -> vector<10000x128xf32>
    %add3A = vector.broadcast %get3A_10 : vector<1x128xf32> to vector<10000x128xf32>
    %add3A_24 = arith.addf %dot_general3A_23, %add3A : vector<10000x128xf32>
    %mul3A = vector.broadcast %get3A_19 : vector<1x1xf32> to vector<1x128xf32>
    %mul3A_25 = arith.mulf %get3A_22, %mul3A : vector<1x128xf32>
    %add3A_26 = vector.broadcast %mul3A_25 : vector<1x128xf32> to vector<10000x128xf32>
    %add3A_27 = arith.addf %add3A_24, %add3A_26 : vector<10000x128xf32>
    %dot_general3A_28 = arith.constant dense<0.000000e+00> : vector<1x256xf32>
    %dot_general3A_29 = tpu.matmul %get3A_4, %get3A_13, %dot_general3A_28 {dimension_numbers = #tpu.dot_dimension_numbers<[1], [0], [0], [1], [0, 0, 1, 1], [], []>, transpose_lhs_hint = false} : vector<1x128xf32>, vector<128x256xf32>, vector<1x256xf32> -> vector<1x256xf32>
    %add3A_30 = arith.addf %dot_general3A_29, %get3A_16 : vector<1x256xf32>
    %slice3A = vector.extract_strided_slice %add3A_30 {offsets = [0, 0], sizes = [1, 128], strides = [1, 1]} : vector<1x256xf32> to vector<1x128xf32>
    %slice3A_31 = vector.extract_strided_slice %add3A_30 {offsets = [0, 128], sizes = [1, 128], strides = [1, 1]} : vector<1x256xf32> to vector<1x128xf32>
    %reduce_sum3A = arith.constant dense<0.000000e+00> : vector<128xf32>
    %reduce_sum3A_32 = vector.multi_reduction <add>, %add3A_27, %reduce_sum3A [0] : vector<10000x128xf32> to vector<128xf32>
    %broadcast_in_dim3A = vector.shape_cast %reduce_sum3A_32 : vector<128xf32> to vector<1x128xf32>
    %div3A = arith.constant 1.000000e+04 : f32
    %div3A_33 = vector.broadcast %div3A : f32 to vector<1x128xf32>
    %div3A_34 = arith.divf %broadcast_in_dim3A, %div3A_33 : vector<1x128xf32>
    %sub3A = vector.broadcast %div3A_34 : vector<1x128xf32> to vector<10000x128xf32>
    %sub3A_35 = arith.subf %add3A_27, %sub3A : vector<10000x128xf32>
    %integer_pow3A = arith.mulf %sub3A_35, %sub3A_35 : vector<10000x128xf32>
    %reduce_sum3A_36 = arith.constant dense<0.000000e+00> : vector<128xf32>
    %reduce_sum3A_37 = vector.multi_reduction <add>, %integer_pow3A, %reduce_sum3A_36 [0] : vector<10000x128xf32> to vector<128xf32>
    %broadcast_in_dim3A_38 = vector.shape_cast %reduce_sum3A_37 : vector<128xf32> to vector<1x128xf32>
    %div3A_39 = arith.constant 1.000000e+04 : f32
    %div3A_40 = vector.broadcast %div3A_39 : f32 to vector<1x128xf32>
    %div3A_41 = arith.divf %broadcast_in_dim3A_38, %div3A_40 : vector<1x128xf32>
    %sub3A_42 = vector.broadcast %div3A_34 : vector<1x128xf32> to vector<10000x128xf32>
    %sub3A_43 = arith.subf %add3A_27, %sub3A_42 : vector<10000x128xf32>
    %add3A_44 = arith.constant 9.99999974E-6 : f32
    %add3A_45 = vector.broadcast %add3A_44 : f32 to vector<1x128xf32>
    %add3A_46 = arith.addf %div3A_41, %add3A_45 : vector<1x128xf32>
    %sqrt3A = math.sqrt %add3A_46 : vector<1x128xf32>
    %div3A_47 = vector.broadcast %sqrt3A : vector<1x128xf32> to vector<10000x128xf32>
    %div3A_48 = arith.divf %sub3A_43, %div3A_47 : vector<10000x128xf32>
    %mul3A_49 = vector.broadcast %slice3A : vector<1x128xf32> to vector<10000x128xf32>
    %mul3A_50 = arith.mulf %mul3A_49, %div3A_48 : vector<10000x128xf32>
    %add3A_51 = vector.broadcast %slice3A_31 : vector<1x128xf32> to vector<10000x128xf32>
    %add3A_52 = arith.addf %mul3A_50, %add3A_51 : vector<10000x128xf32>
    %ge3A = arith.constant 0.000000e+00 : f32
    %ge3A_53 = vector.broadcast %ge3A : f32 to vector<10000x128xf32>
    %ge3A_54 = arith.cmpf oge, %add3A_52, %ge3A_53 : vector<10000x128xf32>
    %mul3A_55 = arith.constant 0.00999999977 : f32
    %mul3A_56 = vector.broadcast %mul3A_55 : f32 to vector<10000x128xf32>
    %mul3A_57 = arith.mulf %mul3A_56, %add3A_52 : vector<10000x128xf32>
    %select_n3A = arith.select %ge3A_54, %add3A_52, %mul3A_57 : vector<10000x128xi1>, vector<10000x128xf32>
    %get3A_58 = arith.constant 0 : index
    %get3A_59 = arith.constant 0 : index
    %get3A_60 = vector.load %arg8[%get3A_58, %get3A_59] : memref<128x128xf32, #tpu.memory_space<vmem>>, vector<128x128xf32>
    %dot_general3A_61 = arith.constant dense<0.000000e+00> : vector<10000x128xf32>
    %dot_general3A_62 = tpu.matmul %select_n3A, %get3A_60, %dot_general3A_61 {dimension_numbers = #tpu.dot_dimension_numbers<[1], [0], [0], [1], [0, 0, 1, 1], [], []>, transpose_lhs_hint = false} : vector<10000x128xf32>, vector<128x128xf32>, vector<10000x128xf32> -> vector<10000x128xf32>
    %add3A_63 = arith.addf %select_n3A, %dot_general3A_62 : vector<10000x128xf32>
    %get3A_64 = arith.constant 0 : index
    %get3A_65 = arith.constant 0 : index
    %get3A_66 = vector.load %arg9[%get3A_64, %get3A_65] : memref<1x128xf32, #tpu.memory_space<vmem>>, vector<1x128xf32>
    %add3A_67 = vector.broadcast %get3A_66 : vector<1x128xf32> to vector<10000x128xf32>
    %add3A_68 = arith.addf %add3A_63, %add3A_67 : vector<10000x128xf32>
    %swap3A = arith.constant 0 : index
    %swap3A_69 = arith.constant 0 : index
    %swap3A_70 = vector.load %arg10[%swap3A, %swap3A_69] : memref<10000x128xf32, #tpu.memory_space<vmem>>, vector<10000x128xf32>
    tpu.vector_store %arg10[%swap3A, %swap3A_69], %add3A_68 {strides = array<i32>} : memref<10000x128xf32, #tpu.memory_space<vmem>>, vector<10000x128xf32>,
    return
  }
}

</mosaic_0001>

<sc_bundles>
// kernel: kernel.5.cloned.1.call-start
scs
__scs_entry_jumppad:
0x0: {  	(pc) =	sbr.rel $0x88, $3  }
0x1: {  	(tag) =	ssettag $0x0;
	lr =	simm.s32 $0x1  }
0x2: {  	[smem:$0x3F86] =	sst lr;
	_ =	strace $0xD0000000  }
0x3: {  	_ = 	snop  }
0x4: {  	_ = 	snop  }
0x5: {  	_ = 	snop  }
0x6: {  	_ = 	snop  }
0x7: {  	_ = 	snop  }
__scs_overlays_trampoline_lowered:
0x8: {  	[smem:$0x3F95] =	sst s0  }
0x9: {  	[smem:$0x3F96] =	sst s1  }
0xa: {  	[smem:$0x3F97] =	sst s2  }
0xb: {  	[smem:$0x3F98] =	sst s3  }
0xc: {  	[smem:$0x3F99] =	sst s4  }
0xd: {  	[smem:$0x3F9A] =	sst s5  }
0xe: {  	[smem:$0x3F9B] =	sst s6  }
0xf: {  	[smem:$0x3F9C] =	sst s7  }
0x10: {  	[smem:$0x3F9D] =	sst s8  }
0x11: {  	[smem:$0x3F9E] =	sst s9;
	s0 =	simm.s32 @!p0 $0x0  }
0x12: {  	s1 =	sld [smem:$0x3F84];
	s0 =	simm.s32 @p0 $0x1  }
0x13: {  	[smem:$0x3F9F] =	sst s0;
	s0 =	simm.s32 @!p1 $0x0  }
0x14: {  	s2 =	sld [smem:$0x3F83];
	s0 =	simm.s32 @p1 $0x1  }
0x15: {  	[smem:$0x3FA0] =	sst s0;
	s0 =	simm.s32 @!p2 $0x0  }
0x16: {  	s3 =	sld [smem:$0x3FDB];
	s0 =	simm.s32 @p2 $0x1  }
0x17: {  	s4 =	simm.s32 $0x1BF5;
	[smem:$0x3FA2] =	sst s0  }
0x18: {  	s0 =	sld [smem:$0x3F85];
	_ =	swait.ge [sflag:s4], $0x0  }
0x19: {  	s7 =	sld [smem:$0x3F86]  }
0x1a: {  	s8 =	sadd.s32 $0xFFFFE003, lr  }
0x1b: {  	s9 =	sadd.s32 $0xFFFFFEF7, lr;
	s5 =	simm.s32 $0xFFFFFFFF;
	p2 =	slt.u32 s8, $0xFFFFF086  }
0x1c: {  	p1 =	slt.u32 s9, $0xF7A;
	s5 =	simm.s32 @!p2 $0x0  }
0x1d: {  	s5 =	simm.s32 @p1 $0x1;
	p0 =	seq.s32 s7, s2  }
0x1e: {  	s7 =	smul.u32 @!p0 $0xF7A, s2;
	p2 =	seq.s32 @!p0 s5, $0x0  }
0x1f: {  	s9 =	smul.u32 $0xF7A, s1;
	s8 =	simm.s32 @!p0 $0x1BF5;
	p2 =	por !p2, p0  }
0x20: {  	[sflag:s8] =	ssyncset.s32 @!p0 $0xFFFFF086;
	s6 =	sadd.s32 @!p0 s3, s7;
	s7 =	simm.s32 @!p0 $0x108  }
0x21: {  	s3 =	sadd.s32 s3, s9;
	s6 =	sadd.s32 @!p0 $0x88, s6;
	s7 =	simm.s32 @p2 $0x1082  }
0x22: {  	[simem:s7], [sflag:s8] =	dma.local @!p0 [hbm:s6], $0xF7A  }
0x23: {  	s9 =	sor.u32 $0xD0000000, s2;
	s6 =	simm.s32 $0x108;
	_ =	swait.ge @!p0 [sflag:s8], $0x0  }
0x24: {  	s3 =	sadd.s32 $0x88, s3;
	s6 =	simm.s32 @!p1 $0x1082;
	[sflag:s4] =	ssyncset.s32 $0xFFFFF086  }
0x25: {  	[simem:s6], [sflag:s4] =	dma.local [hbm:s3], $0xF7A  }
0x26: {  	[smem:$0x3F86] =	sst s1;
	(tag) =	ssettag s2;
	_ =	strace s9  }
0x27: {  	s1 =	sld [smem:$0x3F96]  }
0x28: {  	s2 =	sld [smem:$0x3F97]  }
0x29: {  	s4 =	sld [smem:$0x3F99]  }
0x2a: {  	p0 =	seq.s32 s5, $0x0;
	s5 =	sld [smem:$0x3F9A]  }
0x2b: {  	s6 =	sld [smem:$0x3F9B]  }
0x2c: {  	s7 =	sld [smem:$0x3F9C]  }
0x2d: {  	s3 =	simm.s32 $0x108;
	s8 =	sld [smem:$0x3F9D]  }
0x2e: {  	s3 =	simm.s32 @!p0 $0x1082;
	s9 =	sld [smem:$0x3F9E]  }
0x2f: {  	lr =	sadd.s32 s0, s3;
	s0 =	sld [smem:$0x3F95]  }
0x30: {  	s3 =	sld [smem:$0x3F98]  }
0x31: {  	[smem:$0x3FA1] =	sst s10  }
0x32: {  	s10 =	sld [smem:$0x3F9F];
	_ =	sdelay $0x3  }
0x33: {  	p0 =	seq.s32 s10, $0x1;
	s10 =	sld [smem:$0x3FA1];
	_ =	sdelay $0x3  }
0x34: {  	[smem:$0x3FA1] =	sst s10  }
0x35: {  	s10 =	sld [smem:$0x3FA0];
	_ =	sdelay $0x3  }
0x36: {  	p1 =	seq.s32 s10, $0x1;
	s10 =	sld [smem:$0x3FA1];
	_ =	sdelay $0x3  }
0x37: {  	[smem:$0x3FA1] =	sst s10  }
0x38: {  	s10 =	sld [smem:$0x3FA2]  }
0x39: {  	_ = 	snop;
	(pc) =	sbr.ind lr, $3  }
0x3a: {  	_ = 	snop  }
0x3b: {  	_ = 	snop  }
0x3c: {  	p2 =	seq.s32 s10, $0x1;
	s10 =	sld [smem:$0x3FA1]  }
0x3d: {  	_ =	shalt  }
0x3e: {  	_ =	shalt  }
0x3f: {  	_ =	shalt  }
0x40: {  	_ =	shalt  }
0x41: {  	_ =	shalt  }
0x42: {  	_ =	shalt  }
0x43: {  	_ =	shalt  }
0x44: {  	_ =	shalt  }
0x45: {  	_ =	shalt  }
0x46: {  	_ =	shalt  }
0x47: {  	_ =	shalt  }
0x48: {  	_ =	shalt  }
0x49: {  	_ =	shalt  }
0x4a: {  	_ =	shalt  }
0x4b: {  	_ =	shalt  }
0x4c: {  	_ =	shalt  }
0x4d: {  	_ =	shalt  }
0x4e: {  	_ =	shalt  }
0x4f: {  	_ =	shalt  }
0x50: {  	_ =	shalt  }
0x51: {  	_ =	shalt  }
0x52: {  	_ =	shalt  }
0x53: {  	_ =	shalt  }
0x54: {  	_ =	shalt  }
0x55: {  	_ =	shalt  }
0x56: {  	_ =	shalt  }
0x57: {  	_ =	shalt  }
0x58: {  	_ =	shalt  }
0x59: {  	_ =	shalt  }
0x5a: {  	_ =	shalt  }
0x5b: {  	_ =	shalt  }
0x5c: {  	_ =	shalt  }
0x5d: {  	_ =	shalt  }
0x5e: {  	_ =	shalt  }
0x5f: {  	_ =	shalt  }
0x60: {  	_ =	shalt  }
0x61: {  	_ =	shalt  }
0x62: {  	_ =	shalt  }
0x63: {  	_ =	shalt  }
0x64: {  	_ =	shalt  }
0x65: {  	_ =	shalt  }
0x66: {  	_ =	shalt  }
0x67: {  	_ =	shalt  }
0x68: {  	_ =	shalt  }
0x69: {  	_ =	shalt  }
0x6a: {  	_ =	shalt  }
0x6b: {  	_ =	shalt  }
0x6c: {  	_ =	shalt  }
0x6d: {  	_ =	shalt  }
0x6e: {  	_ =	shalt  }
0x6f: {  	_ =	shalt  }
0x70: {  	_ =	shalt  }
0x71: {  	_ =	shalt  }
0x72: {  	_ =	shalt  }
0x73: {  	_ =	shalt  }
0x74: {  	_ =	shalt  }
0x75: {  	_ =	shalt  }
0x76: {  	_ =	shalt  }
0x77: {  	_ =	shalt  }
0x78: {  	_ =	shalt  }
0x79: {  	_ =	shalt  }
0x7a: {  	_ =	shalt  }
0x7b: {  	_ =	shalt  }
0x7c: {  	_ =	shalt  }
0x7d: {  	_ =	shalt  }
0x7e: {  	_ =	shalt  }
0x7f: {  	_ =	shalt  }
0x80: {  	_ =	shalt  }
0x81: {  	_ =	shalt  }
0x82: {  	_ =	shalt  }
0x83: {  	_ =	shalt  }
0x84: {  	_ =	shalt  }
0x85: {  	_ =	shalt  }
0x86: {  	_ =	shalt  }
0x87: {  	_ =	shalt  }
.Lfunc_end0:
.L_simem_size_0:
called_computation_lowered:
.L_overlay_start_0:
0x88: {  	s2 =	sld [smem:$0x3FD9]  }
0x89: {  	s3 =	sld [smem:$0x3FFE];
	_ =	sdelay $0x1  }
0x8a: {  	s1 =	srdreg.scid  }
0x8b: {  	s0 =	sand.u32 $0x1, s1  }
0x8c: {  	s17 =	sshll.u32 s0, $0xA;
	s2 =	sadd.s32 s3, s2  }
0x8d: {  	s2 =	sadd.s32 s2, s17  }
0x8e: {  	[smem:$0x3FAD] =	sst s2  }
0x8f: {  	_ = 	snop  }
0x90: {  	s2 =	sld [smem:$0x3FC6]  }
0x91: {  	s18 =	sld [smem:$0x3FD0];
	(tm) =	ssettm $0x1  }
0x92: {  	s4 =	sld [smem:$0x3FFB];
	_ =	sdelay $0x3  }
0x93: {  	_ =	strace s4  }
0x94: {  	s4 =	sld [smem:$0x3FFC];
	_ =	sdelay $0x3  }
0x95: {  	_ =	strace s4  }
0x96: {  	s4 =	sld [smem:$0x3FFD];
	_ =	sdelay $0x3  }
0x97: {  	_ =	strace s4  }
0x98: {  	_ =	strace $0x8FFFFFFF  }
0x99: {  	s19 =	sld [smem:$0x3FDB];
	_ =	sdelay $0x1  }
0x9a: {  	s5 =	simm.s32 $_scs_section_size  }
0x9b: {  	s6 =	simm.s32 $_size__tile_overlayer_lowered;
	s7 =	simm.s32 $_tile_overlayer_lowered  }
0x9c: {  	s22 =	simm.s32 $0x1BFF;
	s21 =	sshll.u32 s7, $0x1;
	s4 =	sadd.s32 s5, s19  }
0x9d: {  	s8 =	simm.s32 $0x0;
	s20 =	sshll.u32 s6, $0x1;
	s6 =	sadd.s32 s21, s4  }
0x9e: {  	[timem:s8], [sflag:s22] =	dma.local [hbm:s6], s20  }
0x9f: {  	_ =	swait.ge [sflag:s22], s20  }
0xa0: {  	s5 =	ssub.s32 $0x0, s20;
	[sflag:s22] =	ssyncset.done $0x0  }
0xa1: {  	[sflag:s22] =	ssyncadd.s32 s5;
	_ =	sdelay $0x1  }
0xa2: {  	s23 =	simm.s32 $0x1B8B  }
0xa3: {  	_ =	swait.ge [sflag:s23], $0x1  }
0xa4: {  	[sflag:s23] =	ssyncset.done $0x0  }
0xa5: {  	s25 =	simm.s32 $0x1B8E;
	s24 =	sld [smem:$0x3FFE];
	[sflag:s23] =	ssyncadd.s32 $0xFFFFFFFF  }
0xa6: {  	s26 =	simm.s32 $execute0_lowered;
	[smem:$0x3FD2] =	sst s25  }
0xa7: {  	s6 =	sshll.u32 s26, $0x1;
	_ =	strace $0x80000046;
	[dreg:$0x1] =	wrdreg $0xFFFFFFFF  }
0xa8: {  	s28 =	simm.s32 $_size_execute0_lowered;
	s4 =	sadd.s32 s4, s6;
	[dreg:$0x0] =	wrdreg $0x0  }
0xa9: {  	s6 =	sshll.u32 s28, $0x1;
	[dreg:$0x2] =	wrdreg s4  }
0xaa: {  	[dreg:$0x3] =	wrdreg s6  }
0xab: {  	[dreg:$0x4] =	wrdreg $0xC0  }
0xac: {  	_ =	task [dreg:s8], $0x5FFFF  }
0xad: {  	[dreg:$0x1] =	wrdreg $0xFFFFFFFF  }
0xae: {  	[dreg:$0x0] =	wrdreg $0x60  }
0xaf: {  	[dreg:$0x2] =	wrdreg s18  }
0xb0: {  	[dreg:$0x3] =	wrdreg s24  }
0xb1: {  	[dreg:$0x4] =	wrdreg s2  }
0xb2: {  	[dreg:$0x5] =	wrdreg $0xA8000  }
0xb3: {  	[dreg:$0x6] =	wrdreg $0x9  }
0xb4: {  	_ =	task.clear_ibuf [dreg:s8], $0x7FFFF;
	_ =	strace $0x90000046  }
0xb5: {  	s29 =	simm.s32 $0x9;
	_ =	strace $0x80000048  }
0xb6: {  	_ =	swait.ge [sflag:s29], $0x1  }
0xb7: {  	[sflag:s29] =	ssyncadd.s32 $0xFFFFFFFF  }
0xb8: {  	_ =	strace $0x90000048  }
0xb9: {  	_ =	sfence  }
0xba: {  	s30 =	sld [smem:$0x0];
	_ =	sdelay $0x2  }
0xbb: {  	s31 =	sshll.u32 s1, $0xD;
	s1 =	sshrl.u32 s1, $0x2  }
0xbc: {  	s3 =	sand.u32 $0x4000, s31;
	s1 =	sadd.s32 s1, s30  }
0xbd: {  	s0 =	sor.u32 s3, s0;
	s1 =	sshll.u32 s1, $0x11  }
0xbe: {  	s0 =	sor.u32 s1, s0  }
0xbf: {  	s0 =	sadd.s32 $0x8F2B, s0  }
0xc0: {  	[sflag:s0] =	ssyncadd.remote.s32 $0x1  }
0xc1: {  	_ =	sfence.sel $0xFFFF  }
0xc2: {  	[dreg:$0x0] =	wrdreg $0xFFFFFFFF;
	(pc) =	sbr.abs _section_cstart, $3  }
0xc3: {  	[dreg:$0x1] =	wrdreg $0xFFFFFFFF  }
0xc4: {  	_ =	task.clear_ibuf [dreg:s8], $0x2FFFF;
	_ =	strace $0x9FFFFFFF  }
0xc5: {  	(tm) =	ssettm $0x7FFFFFFF  }
tec
execute0_lowered:
.L_overlay_start_1:
0x0: {  	(tag) =	ssettag $0x1  }
0x1: {  	s10 =	rddreg [dreg:$0x0]  }
0x2: {  	s7 =	rddreg [dreg:$0x1]  }
0x3: {  	s2 =	rddreg [dreg:$0x2]  }
0x4: {  	s3 =	rddreg [dreg:$0x3]  }
0x5: {  	s0 =	rddreg [dreg:$0x4];
	s4 =	simm.s32 $0x0;
	s1 =	stileid.u32  }
0x6: {  	s6 =	srdreg.scid;
	s20 =	simm.s32 $0x2800;
	s21 =	simm.s32 $0x6800  }
0x7: {  	s22 =	simm.s32 $0x1;
	s23 =	simm.s32 $0x2;
	s24 =	simm.s32 $0x3  }
0x8: {  	s25 =	simm.s32 $0x4;
	s26 =	simm.s32 $0x0;
	[smem:$0x7FF] =	sst s4  }
0x9: {  	s11 =	smul.u32 $0x13800, s1;
	s12 =	sadd.s32 $0x3200, s7;
	s8 =	sand.u32 $0x1, s6  }
0xa: {  	s29 =	smul.u32 $0x4E000, s1;
	s13 =	sadd.s32 $0x34400, s7;
	s31 =	sshll.u32 s1, $0x6  }
0xb: {  	s17 =	sadd.s32 $0x138000, s3;
	p0 =	sne.s32 s1, $0xF;
	_ =	strace $0x80000047  }
0xc: {  	s9 =	ssub.s32 $0x2, s8;
	s14 =	sshll.u32 s8, $0x4;
	s18 =	smul.u32 $0x138800, s8  }
0xd: {  	s17 =	sshrl.u32 @!p0 s17, $0x3;
	s5 =	sshrl.u32 s11, $0x3;
	s14 =	sor.u32 s1, s14  }
0xe: {  	s15 =	sshrl.u32 s9, $0x1;
	s6 =	sshrl.u32 s29, $0x2;
	s30 =	smul.u32 $0x500, s14  }
0xf: {  	s5 =	sadd.s32 s5, s7;
	s15 =	ssub.s32 s9, s15;
	s14 =	smul.u32 $0x2800, s14  }
0x10: {  	s16 =	sadd.s32 s6, s3;
	s6 =	sor.u32 $0x1C05, s31;
	s7 =	sadd.s32 $0x34200, s7  }
0x11: {  	s11 =	sadd.s32 s11, s18;
	s18 =	sshrl.u32 s18, $0x3;
	s14 =	sshrl.u32 s14, $0x3  }
0x12: {  	s5 =	sadd.s32 $0xD200, s5;
	s19 =	sshrl.u32 s11, $0x3;
	s14 =	sadd.s32 $0x280, s14  }
0x13: {  	s8 =	sadd.s32 s10, s30;
	s9 =	sadd.s32 s12, s30;
	s10 =	sadd.s32 s10, s14  }
0x14: {  	s11 =	sadd.s32 s12, s14;
	s12 =	sadd.s32 s13, s19;
	s13 =	sadd.s32 s13, s18  }
0x15: {  	s14 =	smax.u32 s15, $0x1;
	s15 =	sshrl.u32 s16, $0x3;
	s16 =	simm.s32 $0x5  }
0x16: {  	s18 =	simm.s32 $0x1400;
	s19 =	simm.s32 $0x80;
	s13 =	sadd.s32 $0x27000, s13  }
.LBB2_1:
0x17: {  	[spmem:s15], [sflag:s6] =	dma.local [hbm:s5], $0x2700  }
0x18: {  	_ =	swait.ge [sflag:s16], $0x2700  }
0x19: {  	[sflag:s16] =	ssyncset.done $0x0  }
0x1a: {  	s28 =	simm.s32 @!p0 $0x5;
	[sflag:s16] =	ssyncadd.s32 $0xFFFFD900  }
0x1b: {  	[spmem:s17], [sflag:s6] =	dma.local @!p0 [hbm:s7], $0x200  }
0x1c: {  	_ =	swait.ge @!p0 [sflag:s28], $0x200  }
0x1d: {  	[sflag:s28] =	ssyncset.done @!p0 $0x0  }
0x1e: {  	[sflag:s28] =	ssyncadd.s32 @!p0 $0xFFFFFE00  }
0x1f: {  	[bflag:$0x0] =	sbarrier.arrive $0xFFFF  }
0x20: {  	[tilespmem:s4], [sflag:$0x5] =	stream.linear.gather [hbm4b:s8+s4], $0x1400, $0x38;
	[tilespmem:$0x1E100] =	vst v63  }
0x21: {  	_ =	swait.ge [sflag:s16], $0x1400  }
0x22: {  	[sflag:s16] =	ssyncset.done $0x0  }
0x23: {  	[sflag:s16] =	ssyncadd.s32 $0xFFFFEC00  }
0x24: {  	[tilespmem:s18], [sflag:$0x5] =	stream.linear.gather [hbm4b:s9+s4], $0x1400, $0x38;
	[tilespmem:$0x1E100] =	vst v63  }
0x25: {  	_ =	swait.ge [sflag:s16], $0x1400  }
0x26: {  	[sflag:s16] =	ssyncset.done $0x0  }
0x27: {  	s28 =	simm.s32 $0x0;
	[sflag:s16] =	ssyncadd.s32 $0xFFFFEC00  }
0x28: {  	[tilespmem:s20], [sflag:$0x1] =	stream.indirect.gather [hbm4b:s2+s19], $0x80, s28, s19, $0xb8;
	[tilespmem:$0x1E100] =	vst v63  }
0x29: {  	s28 =	simm.s32 $0x80  }
0x2a: {  	[tilespmem:s21], [sflag:$0x2] =	stream.indirect.gather [hbm4b:s2+s19], $0x80, s28, s19, $0xb8;
	[tilespmem:$0x1E100] =	vst v63  }
0x2b: {  	_ =	swait.ge [sflag:s22], $0x4000  }
0x2c: {  	[sflag:s22] =	ssyncset.done $0x0  }
0x2d: {  	s28 =	simm.s32 $0x1400;
	[sflag:s22] =	ssyncadd.s32 $0xFFFFC000  }
0x2e: {  	[spmem:s3] =	stream.indirect.scatter.add.f32 [tilespmem:s20], [sflag:$0x3], $0x80, s28, s19, $0xb8;
	[tilespmem:$0x1E100] =	vst v63  }
0x2f: {  	_ =	swait.ge [sflag:s23], $0x4000  }
0x30: {  	[sflag:s23] =	ssyncset.done $0x0  }
0x31: {  	s28 =	simm.s32 $0x1480;
	[sflag:s23] =	ssyncadd.s32 $0xFFFFC000  }
0x32: {  	[spmem:s3] =	stream.indirect.scatter.add.f32 [tilespmem:s21], [sflag:$0x4], $0x80, s28, s19, $0xb8;
	[tilespmem:$0x1E100] =	vst v63  }
0x33: {  	_ =	swait.ge [sflag:s24], $0x4000  }
0x34: {  	[sflag:s24] =	ssyncset.done $0x0  }
0x35: {  	s28 =	simm.s32 $0x100;
	[sflag:s24] =	ssyncadd.s32 $0xFFFFC000  }
0x36: {  	[tilespmem:s20], [sflag:$0x1] =	stream.indirect.gather [hbm4b:s2+s19], $0x80, s28, s19, $0xb8;
	[tilespmem:$0x1E100] =	vst v63  }
0x37: {  	_ =	swait.ge [sflag:s25], $0x4000  }
0x38: {  	[sflag:s25] =	ssyncset.done $0x0  }
0x39: {  	s28 =	simm.s32 $0x180;
	[sflag:s25] =	ssyncadd.s32 $0xFFFFC000  }
0x3a: {  	[tilespmem:s21], [sflag:$0x2] =	stream.indirect.gather [hbm4b:s2+s19], $0x80, s28, s19, $0xb8;
	[tilespmem:$0x1E100] =	vst v63  }
0x3b: {  	_ =	swait.ge [sflag:s22], $0x4000  }
0x3c: {  	[sflag:s22] =	ssyncset.done $0x0  }
0x3d: {  	s28 =	simm.s32 $0x1500;
	[sflag:s22] =	ssyncadd.s32 $0xFFFFC000  }
0x3e: {  	[spmem:s3] =	stream.indirect.scatter.add.f32 [tilespmem:s20], [sflag:$0x3], $0x80, s28, s19, $0xb8;
	[tilespmem:$0x1E100] =	vst v63  }
0x3f: {  	_ =	swait.ge [sflag:s23], $0x4000  }
0x40: {  	[sflag:s23] =	ssyncset.done $0x0  }
0x41: {  	s28 =	simm.s32 $0x1580;
	[sflag:s23] =	ssyncadd.s32 $0xFFFFC000  }
0x42: {  	[spmem:s3] =	stream.indirect.scatter.add.f32 [tilespmem:s21], [sflag:$0x4], $0x80, s28, s19, $0xb8;
	[tilespmem:$0x1E100] =	vst v63  }
0x43: {  	_ =	swait.ge [sflag:s24], $0x4000  }
0x44: {  	[sflag:s24] =	ssyncset.done $0x0  }
0x45: {  	[sflag:s24] =	ssyncadd.s32 $0xFFFFC000  }
0x46: {  	_ =	swait.ge [sflag:s25], $0x4000  }
0x47: {  	s30 =	simm.s32 $0x1000;
	s28 =	simm.s32 $0x800;
	[sflag:s25] =	ssyncset.done $0x0  }
.LBB2_2:
0x48: {  	s31 =	sshra.s32 s28, $0x2  }
0x49: {  	[sflag:s25] =	ssyncadd.s32 $0xFFFFC000;
	s28 =	smov.u32 s30;
	s29 =	sadd.s32 $0x800, s30  }
0x4a: {  	[tilespmem:s20], [sflag:$0x1] =	stream.indirect.gather [hbm4b:s2+s19], $0x80, s31, s19, $0xb8;
	[tilespmem:$0x1E100] =	vst v63  }
0x4b: {  	p1 =	sne.s32 s30, $0x4800;
	s30 =	sadd.s32 $0x80, s31  }
0x4c: {  	[tilespmem:s21], [sflag:$0x2] =	stream.indirect.gather [hbm4b:s2+s19], $0x80, s30, s19, $0xb8;
	[tilespmem:$0x1E100] =	vst v63  }
0x4d: {  	_ =	swait.ge [sflag:s22], $0x4000  }
0x4e: {  	[sflag:s22] =	ssyncset.done $0x0  }
0x4f: {  	s30 =	sadd.s32 $0x1400, s31;
	[sflag:s22] =	ssyncadd.s32 $0xFFFFC000  }
0x50: {  	[spmem:s3] =	stream.indirect.scatter.add.f32 [tilespmem:s20], [sflag:$0x3], $0x80, s30, s19, $0xb8;
	[tilespmem:$0x1E100] =	vst v63  }
0x51: {  	_ =	swait.ge [sflag:s23], $0x4000  }
0x52: {  	[sflag:s23] =	ssyncset.done $0x0  }
0x53: {  	s30 =	sadd.s32 $0x1480, s31;
	[sflag:s23] =	ssyncadd.s32 $0xFFFFC000  }
0x54: {  	[spmem:s3] =	stream.indirect.scatter.add.f32 [tilespmem:s21], [sflag:$0x4], $0x80, s30, s19, $0xb8;
	[tilespmem:$0x1E100] =	vst v63  }
0x55: {  	_ =	swait.ge [sflag:s24], $0x4000  }
0x56: {  	[sflag:s24] =	ssyncset.done $0x0  }
0x57: {  	s30 =	sadd.s32 $0x100, s31;
	[sflag:s24] =	ssyncadd.s32 $0xFFFFC000  }
0x58: {  	[tilespmem:s20], [sflag:$0x1] =	stream.indirect.gather [hbm4b:s2+s19], $0x80, s30, s19, $0xb8;
	[tilespmem:$0x1E100] =	vst v63  }
0x59: {  	_ =	swait.ge [sflag:s25], $0x4000  }
0x5a: {  	[sflag:s25] =	ssyncset.done $0x0  }
0x5b: {  	s30 =	sadd.s32 $0x180, s31;
	[sflag:s25] =	ssyncadd.s32 $0xFFFFC000  }
0x5c: {  	[tilespmem:s21], [sflag:$0x2] =	stream.indirect.gather [hbm4b:s2+s19], $0x80, s30, s19, $0xb8;
	[tilespmem:$0x1E100] =	vst v63  }
0x5d: {  	_ =	swait.ge [sflag:s22], $0x4000  }
0x5e: {  	[sflag:s22] =	ssyncset.done $0x0  }
0x5f: {  	s30 =	sadd.s32 $0x1500, s31;
	[sflag:s22] =	ssyncadd.s32 $0xFFFFC000  }
0x60: {  	[spmem:s3] =	stream.indirect.scatter.add.f32 [tilespmem:s20], [sflag:$0x3], $0x80, s30, s19, $0xb8;
	[tilespmem:$0x1E100] =	vst v63  }
0x61: {  	_ =	swait.ge [sflag:s23], $0x4000  }
0x62: {  	[sflag:s23] =	ssyncset.done $0x0  }
0x63: {  	s30 =	sadd.s32 $0x1580, s31;
	[sflag:s23] =	ssyncadd.s32 $0xFFFFC000  }
0x64: {  	[spmem:s3] =	stream.indirect.scatter.add.f32 [tilespmem:s21], [sflag:$0x4], $0x80, s30, s19, $0xb8;
	[tilespmem:$0x1E100] =	vst v63  }
.Ltmp0:
0x65: {  	_ =	swait.ge [sflag:s24], $0x4000;
	(pc) =	sbr.rel @p1 .LBB2_2-.Ltmp0, $4  }
0x66: {  	[sflag:s24] =	ssyncset.done $0x0  }
0x67: {  	[sflag:s24] =	ssyncadd.s32 $0xFFFFC000  }
0x68: {  	_ =	swait.ge [sflag:s25], $0x4000  }
0x69: {  	s30 =	smov.u32 s29;
	[sflag:s25] =	ssyncset.done $0x0  }
0x6a: {  	s28 =	sshra.s32 s28, $0x2;
	[sflag:s25] =	ssyncadd.s32 $0xFFFFC000  }
0x6b: {  	[tilespmem:s20], [sflag:$0x1] =	stream.indirect.gather [hbm4b:s2+s19], $0x80, s28, s19, $0xb8;
	[tilespmem:$0x1E100] =	vst v63  }
0x6c: {  	s29 =	sadd.s32 $0x80, s28  }
0x6d: {  	[tilespmem:s21], [sflag:$0x2] =	stream.indirect.gather [hbm4b:s2+s19], $0x80, s29, s19, $0xb8;
	[tilespmem:$0x1E100] =	vst v63  }
0x6e: {  	_ =	swait.ge [sflag:s22], $0x4000  }
0x6f: {  	[sflag:s22] =	ssyncset.done $0x0  }
0x70: {  	s31 =	sadd.s32 $0x1400, s28;
	[sflag:s22] =	ssyncadd.s32 $0xFFFFC000  }
0x71: {  	[spmem:s3] =	stream.indirect.scatter.add.f32 [tilespmem:s20], [sflag:$0x3], $0x80, s31, s19, $0xb8;
	[tilespmem:$0x1E100] =	vst v63  }
0x72: {  	_ =	swait.ge [sflag:s23], $0x4000  }
0x73: {  	[sflag:s23] =	ssyncset.done $0x0  }
0x74: {  	s31 =	sadd.s32 $0x1480, s28;
	[sflag:s23] =	ssyncadd.s32 $0xFFFFC000  }
0x75: {  	[spmem:s3] =	stream.indirect.scatter.add.f32 [tilespmem:s21], [sflag:$0x4], $0x80, s31, s19, $0xb8;
	[tilespmem:$0x1E100] =	vst v63  }
0x76: {  	_ =	swait.ge [sflag:s24], $0x4000  }
0x77: {  	[sflag:s24] =	ssyncset.done $0x0  }
0x78: {  	s31 =	sadd.s32 $0x100, s28;
	[sflag:s24] =	ssyncadd.s32 $0xFFFFC000  }
0x79: {  	[tilespmem:s20], [sflag:$0x1] =	stream.indirect.gather [hbm4b:s2+s19], $0x80, s31, s19, $0xb8;
	[tilespmem:$0x1E100] =	vst v63  }
0x7a: {  	_ =	swait.ge [sflag:s25], $0x4000  }
0x7b: {  	[sflag:s25] =	ssyncset.done $0x0  }
0x7c: {  	s31 =	sadd.s32 $0x180, s28;
	[sflag:s25] =	ssyncadd.s32 $0xFFFFC000  }
0x7d: {  	[tilespmem:s21], [sflag:$0x2] =	stream.indirect.gather [hbm4b:s2+s19], $0x80, s31, s19, $0xb8;
	[tilespmem:$0x1E100] =	vst v63  }
0x7e: {  	_ =	swait.ge [sflag:s22], $0x4000  }
0x7f: {  	[sflag:s22] =	ssyncset.done $0x0  }
0x80: {  	s31 =	sadd.s32 $0x1500, s28;
	[sflag:s22] =	ssyncadd.s32 $0xFFFFC000  }
0x81: {  	[spmem:s3] =	stream.indirect.scatter.add.f32 [tilespmem:s20], [sflag:$0x3], $0x80, s31, s19, $0xb8;
	[tilespmem:$0x1E100] =	vst v63  }
0x82: {  	_ =	swait.ge [sflag:s23], $0x4000  }
0x83: {  	[sflag:s23] =	ssyncset.done $0x0  }
0x84: {  	s28 =	sadd.s32 $0x1580, s28;
	[sflag:s23] =	ssyncadd.s32 $0xFFFFC000  }
0x85: {  	[spmem:s3] =	stream.indirect.scatter.add.f32 [tilespmem:s21], [sflag:$0x4], $0x80, s28, s19, $0xb8;
	[tilespmem:$0x1E100] =	vst v63  }
0x86: {  	_ =	swait.ge [sflag:s24], $0x4000  }
0x87: {  	[sflag:s24] =	ssyncset.done $0x0  }
0x88: {  	[sflag:s24] =	ssyncadd.s32 $0xFFFFC000  }
0x89: {  	_ =	swait.ge [sflag:s25], $0x4000  }
0x8a: {  	[sflag:s25] =	ssyncset.done $0x0  }
0x8b: {  	s28 =	simm.s32 $0x0;
	[sflag:s25] =	ssyncadd.s32 $0xFFFFC000  }
0x8c: {  	[tilespmem:s28], [sflag:$0x5] =	stream.linear.gather [hbm4b:s10+s28], $0x1400, $0x38;
	[tilespmem:$0x1E100] =	vst v63  }
0x8d: {  	_ =	swait.ge [sflag:s16], $0x1400  }
0x8e: {  	[sflag:s16] =	ssyncset.done $0x0  }
0x8f: {  	[sflag:s16] =	ssyncadd.s32 $0xFFFFEC00  }
0x90: {  	[tilespmem:s18], [sflag:$0x5] =	stream.linear.gather [hbm4b:s11+s28], $0x1400, $0x38;
	[tilespmem:$0x1E100] =	vst v63  }
0x91: {  	_ =	swait.ge [sflag:s16], $0x1400  }
0x92: {  	[sflag:s16] =	ssyncset.done $0x0  }
0x93: {  	s28 =	simm.s32 $0x0;
	[sflag:s16] =	ssyncadd.s32 $0xFFFFEC00  }
0x94: {  	[tilespmem:s20], [sflag:$0x1] =	stream.indirect.gather [hbm4b:s2+s19], $0x80, s28, s19, $0xb8;
	[tilespmem:$0x1E100] =	vst v63  }
0x95: {  	s28 =	simm.s32 $0x80  }
0x96: {  	[tilespmem:s21], [sflag:$0x2] =	stream.indirect.gather [hbm4b:s2+s19], $0x80, s28, s19, $0xb8;
	[tilespmem:$0x1E100] =	vst v63  }
0x97: {  	_ =	swait.ge [sflag:s22], $0x4000  }
0x98: {  	[sflag:s22] =	ssyncset.done $0x0  }
0x99: {  	s28 =	simm.s32 $0x1400;
	[sflag:s22] =	ssyncadd.s32 $0xFFFFC000  }
0x9a: {  	[spmem:s3] =	stream.indirect.scatter.add.f32 [tilespmem:s20], [sflag:$0x3], $0x80, s28, s19, $0xb8;
	[tilespmem:$0x1E100] =	vst v63  }
0x9b: {  	_ =	swait.ge [sflag:s23], $0x4000  }
0x9c: {  	[sflag:s23] =	ssyncset.done $0x0  }
0x9d: {  	s28 =	simm.s32 $0x1480;
	[sflag:s23] =	ssyncadd.s32 $0xFFFFC000  }
0x9e: {  	[spmem:s3] =	stream.indirect.scatter.add.f32 [tilespmem:s21], [sflag:$0x4], $0x80, s28, s19, $0xb8;
	[tilespmem:$0x1E100] =	vst v63  }
0x9f: {  	_ =	swait.ge [sflag:s24], $0x4000  }
0xa0: {  	[sflag:s24] =	ssyncset.done $0x0  }
0xa1: {  	s28 =	simm.s32 $0x100;
	[sflag:s24] =	ssyncadd.s32 $0xFFFFC000  }
0xa2: {  	[tilespmem:s20], [sflag:$0x1] =	stream.indirect.gather [hbm4b:s2+s19], $0x80, s28, s19, $0xb8;
	[tilespmem:$0x1E100] =	vst v63  }
0xa3: {  	_ =	swait.ge [sflag:s25], $0x4000  }
0xa4: {  	[sflag:s25] =	ssyncset.done $0x0  }
0xa5: {  	s28 =	simm.s32 $0x180;
	[sflag:s25] =	ssyncadd.s32 $0xFFFFC000  }
0xa6: {  	[tilespmem:s21], [sflag:$0x2] =	stream.indirect.gather [hbm4b:s2+s19], $0x80, s28, s19, $0xb8;
	[tilespmem:$0x1E100] =	vst v63  }
0xa7: {  	_ =	swait.ge [sflag:s22], $0x4000  }
0xa8: {  	[sflag:s22] =	ssyncset.done $0x0  }
0xa9: {  	s28 =	simm.s32 $0x1500;
	[sflag:s22] =	ssyncadd.s32 $0xFFFFC000  }
0xaa: {  	[spmem:s3] =	stream.indirect.scatter.add.f32 [tilespmem:s20], [sflag:$0x3], $0x80, s28, s19, $0xb8;
	[tilespmem:$0x1E100] =	vst v63  }
0xab: {  	_ =	swait.ge [sflag:s23], $0x4000  }
0xac: {  	[sflag:s23] =	ssyncset.done $0x0  }
0xad: {  	s28 =	simm.s32 $0x1580;
	[sflag:s23] =	ssyncadd.s32 $0xFFFFC000  }
0xae: {  	[spmem:s3] =	stream.indirect.scatter.add.f32 [tilespmem:s21], [sflag:$0x4], $0x80, s28, s19, $0xb8;
	[tilespmem:$0x1E100] =	vst v63  }
0xaf: {  	_ =	swait.ge [sflag:s24], $0x4000  }
0xb0: {  	[sflag:s24] =	ssyncset.done $0x0  }
0xb1: {  	[sflag:s24] =	ssyncadd.s32 $0xFFFFC000  }
0xb2: {  	_ =	swait.ge [sflag:s25], $0x4000  }
0xb3: {  	s30 =	simm.s32 $0x1000;
	s28 =	simm.s32 $0x800;
	[sflag:s25] =	ssyncset.done $0x0  }
.LBB2_4:
0xb4: {  	s31 =	sshra.s32 s28, $0x2  }
0xb5: {  	[sflag:s25] =	ssyncadd.s32 $0xFFFFC000;
	s28 =	smov.u32 s30;
	s29 =	sadd.s32 $0x800, s30  }
0xb6: {  	[tilespmem:s20], [sflag:$0x1] =	stream.indirect.gather [hbm4b:s2+s19], $0x80, s31, s19, $0xb8;
	[tilespmem:$0x1E100] =	vst v63  }
0xb7: {  	p1 =	sne.s32 s30, $0x4800;
	s30 =	sadd.s32 $0x80, s31  }
0xb8: {  	[tilespmem:s21], [sflag:$0x2] =	stream.indirect.gather [hbm4b:s2+s19], $0x80, s30, s19, $0xb8;
	[tilespmem:$0x1E100] =	vst v63  }
0xb9: {  	_ =	swait.ge [sflag:s22], $0x4000  }
0xba: {  	[sflag:s22] =	ssyncset.done $0x0  }
0xbb: {  	s30 =	sadd.s32 $0x1400, s31;
	[sflag:s22] =	ssyncadd.s32 $0xFFFFC000  }
0xbc: {  	[spmem:s3] =	stream.indirect.scatter.add.f32 [tilespmem:s20], [sflag:$0x3], $0x80, s30, s19, $0xb8;
	[tilespmem:$0x1E100] =	vst v63  }
0xbd: {  	_ =	swait.ge [sflag:s23], $0x4000  }
0xbe: {  	[sflag:s23] =	ssyncset.done $0x0  }
0xbf: {  	s30 =	sadd.s32 $0x1480, s31;
	[sflag:s23] =	ssyncadd.s32 $0xFFFFC000  }
0xc0: {  	[spmem:s3] =	stream.indirect.scatter.add.f32 [tilespmem:s21], [sflag:$0x4], $0x80, s30, s19, $0xb8;
	[tilespmem:$0x1E100] =	vst v63  }
0xc1: {  	_ =	swait.ge [sflag:s24], $0x4000  }
0xc2: {  	[sflag:s24] =	ssyncset.done $0x0  }
0xc3: {  	s30 =	sadd.s32 $0x100, s31;
	[sflag:s24] =	ssyncadd.s32 $0xFFFFC000  }
0xc4: {  	[tilespmem:s20], [sflag:$0x1] =	stream.indirect.gather [hbm4b:s2+s19], $0x80, s30, s19, $0xb8;
	[tilespmem:$0x1E100] =	vst v63  }
0xc5: {  	_ =	swait.ge [sflag:s25], $0x4000  }
0xc6: {  	[sflag:s25] =	ssyncset.done $0x0  }
0xc7: {  	s30 =	sadd.s32 $0x180, s31;
	[sflag:s25] =	ssyncadd.s32 $0xFFFFC000  }
0xc8: {  	[tilespmem:s21], [sflag:$0x2] =	stream.indirect.gather [hbm4b:s2+s19], $0x80, s30, s19, $0xb8;
	[tilespmem:$0x1E100] =	vst v63  }
0xc9: {  	_ =	swait.ge [sflag:s22], $0x4000  }
0xca: {  	[sflag:s22] =	ssyncset.done $0x0  }
0xcb: {  	s30 =	sadd.s32 $0x1500, s31;
	[sflag:s22] =	ssyncadd.s32 $0xFFFFC000  }
0xcc: {  	[spmem:s3] =	stream.indirect.scatter.add.f32 [tilespmem:s20], [sflag:$0x3], $0x80, s30, s19, $0xb8;
	[tilespmem:$0x1E100] =	vst v63  }
0xcd: {  	_ =	swait.ge [sflag:s23], $0x4000  }
0xce: {  	[sflag:s23] =	ssyncset.done $0x0  }
0xcf: {  	s30 =	sadd.s32 $0x1580, s31;
	[sflag:s23] =	ssyncadd.s32 $0xFFFFC000  }
0xd0: {  	[spmem:s3] =	stream.indirect.scatter.add.f32 [tilespmem:s21], [sflag:$0x4], $0x80, s30, s19, $0xb8;
	[tilespmem:$0x1E100] =	vst v63  }
.Ltmp1:
0xd1: {  	_ =	swait.ge [sflag:s24], $0x4000;
	(pc) =	sbr.rel @p1 .LBB2_4-.Ltmp1, $4  }
0xd2: {  	[sflag:s24] =	ssyncset.done $0x0  }
0xd3: {  	[sflag:s24] =	ssyncadd.s32 $0xFFFFC000  }
0xd4: {  	_ =	swait.ge [sflag:s25], $0x4000  }
0xd5: {  	s30 =	smov.u32 s29;
	[sflag:s25] =	ssyncset.done $0x0  }
0xd6: {  	s28 =	sshra.s32 s28, $0x2;
	[sflag:s25] =	ssyncadd.s32 $0xFFFFC000  }
0xd7: {  	[tilespmem:s20], [sflag:$0x1] =	stream.indirect.gather [hbm4b:s2+s19], $0x80, s28, s19, $0xb8;
	[tilespmem:$0x1E100] =	vst v63  }
0xd8: {  	s29 =	sadd.s32 $0x80, s28  }
0xd9: {  	[tilespmem:s21], [sflag:$0x2] =	stream.indirect.gather [hbm4b:s2+s19], $0x80, s29, s19, $0xb8;
	[tilespmem:$0x1E100] =	vst v63  }
0xda: {  	_ =	swait.ge [sflag:s22], $0x4000  }
0xdb: {  	[sflag:s22] =	ssyncset.done $0x0  }
0xdc: {  	s31 =	sadd.s32 $0x1400, s28;
	[sflag:s22] =	ssyncadd.s32 $0xFFFFC000  }
0xdd: {  	[spmem:s3] =	stream.indirect.scatter.add.f32 [tilespmem:s20], [sflag:$0x3], $0x80, s31, s19, $0xb8;
	[tilespmem:$0x1E100] =	vst v63  }
0xde: {  	_ =	swait.ge [sflag:s23], $0x4000  }
0xdf: {  	[sflag:s23] =	ssyncset.done $0x0  }
0xe0: {  	s30 =	sadd.s32 $0x1480, s28;
	[sflag:s23] =	ssyncadd.s32 $0xFFFFC000  }
0xe1: {  	[spmem:s3] =	stream.indirect.scatter.add.f32 [tilespmem:s21], [sflag:$0x4], $0x80, s30, s19, $0xb8;
	[tilespmem:$0x1E100] =	vst v63  }
0xe2: {  	_ =	swait.ge [sflag:s24], $0x4000  }
0xe3: {  	[sflag:s24] =	ssyncset.done $0x0  }
0xe4: {  	s31 =	sadd.s32 $0x100, s28;
	[sflag:s24] =	ssyncadd.s32 $0xFFFFC000  }
0xe5: {  	[tilespmem:s20], [sflag:$0x1] =	stream.indirect.gather [hbm4b:s2+s19], $0x80, s31, s19, $0xb8;
	[tilespmem:$0x1E100] =	vst v63  }
0xe6: {  	_ =	swait.ge [sflag:s25], $0x4000  }
0xe7: {  	[sflag:s25] =	ssyncset.done $0x0  }
0xe8: {  	s30 =	sadd.s32 $0x180, s28;
	[sflag:s25] =	ssyncadd.s32 $0xFFFFC000  }
0xe9: {  	[tilespmem:s21], [sflag:$0x2] =	stream.indirect.gather [hbm4b:s2+s19], $0x80, s30, s19, $0xb8;
	[tilespmem:$0x1E100] =	vst v63  }
0xea: {  	_ =	swait.ge [sflag:s22], $0x4000  }
0xeb: {  	[sflag:s22] =	ssyncset.done $0x0  }
0xec: {  	s31 =	sadd.s32 $0x1500, s28;
	[sflag:s22] =	ssyncadd.s32 $0xFFFFC000  }
0xed: {  	[spmem:s3] =	stream.indirect.scatter.add.f32 [tilespmem:s20], [sflag:$0x3], $0x80, s31, s19, $0xb8;
	[tilespmem:$0x1E100] =	vst v63  }
0xee: {  	_ =	swait.ge [sflag:s23], $0x4000  }
0xef: {  	[sflag:s23] =	ssyncset.done $0x0  }
0xf0: {  	s28 =	sadd.s32 $0x1580, s28;
	[sflag:s23] =	ssyncadd.s32 $0xFFFFC000  }
0xf1: {  	[spmem:s3] =	stream.indirect.scatter.add.f32 [tilespmem:s21], [sflag:$0x4], $0x80, s28, s19, $0xb8;
	[tilespmem:$0x1E100] =	vst v63  }
0xf2: {  	_ =	swait.ge [sflag:s24], $0x4000  }
0xf3: {  	[sflag:s24] =	ssyncset.done $0x0  }
0xf4: {  	[sflag:s24] =	ssyncadd.s32 $0xFFFFC000  }
0xf5: {  	_ =	swait.ge [sflag:s25], $0x4000  }
0xf6: {  	[sflag:s25] =	ssyncset.done $0x0  }
0xf7: {  	[sflag:s25] =	ssyncadd.s32 $0xFFFFC000  }
0xf8: {  	[bflag:$0x0] =	sbarrier.arrive $0xFFFF  }
0xf9: {  	[hbm:s12], [sflag:s6] =	dma.local [spmem:s15], $0x2700  }
0xfa: {  	s26 =	sadd.s32 $0x1, s26;
	_ =	swait.ge [sflag:s16], $0x2700  }
0xfb: {  	p1 =	sne.s32 s26, s14;
	[sflag:s16] =	ssyncset.done $0x0  }
.Ltmp2:
0xfc: {  	s28 =	simm.s32 @!p0 $0x5;
	[sflag:s16] =	ssyncadd.s32 $0xFFFFD900;
	(pc) =	sbr.rel @p1 .LBB2_1-.Ltmp2, $4  }
0xfd: {  	[hbm:s13], [sflag:s6] =	dma.local @!p0 [spmem:s17], $0x100  }
0xfe: {  	_ =	swait.ge @!p0 [sflag:s28], $0x100  }
0xff: {  	[sflag:s28] =	ssyncset.done @!p0 $0x0  }
0x100: {  	[sflag:s28] =	ssyncadd.s32 @!p0 $0xFFFFFF00  }
0x101: {  	_ =	sfence.sel $0x180000  }
0x102: {  	[bflag:$0x0] =	sbarrier.arrive $0xFFFF  }
0x103: {  	p0 =	sne.s32 s1, $0x0;
	_ =	strace $0x90000047  }
0x104: {  	s0 =	sadd.s32 @!p0 $0x100000, s0;
	[bflag:$0x2] =	sbarrier.arrive $0xFFFF  }
0x105: {  	[sflag:s0] =	ssyncadd.tile.s32 @!p0 $0x1;
	_ =	shalt  }
.Lfunc_end2:
_tile_overlayer_lowered:
.L_overlay_start_2:
0x106: {  	(tag) =	ssettag $0x2  }
0x107: {  	s0 =	rddreg [dreg:$0x0];
	s2 =	stileid.u32  }
0x108: {  	s1 =	rddreg [dreg:$0x1];
	p0 =	sne.s32 s2, $0x0  }
0x109: {  	s3 =	rddreg [dreg:$0x2];
	[bflag:$0x3] =	sbarrier.arrive $0xFFFF;
	s2 =	simm.s32 @!p0 $0x1C05  }
0x10a: {  	[timem:s3], [sflag:s2] =	dma.local @!p0 [hbm:s0], s1  }
0x10b: {  	s0 =	simm.s32 @!p0 $0x5  }
0x10c: {  	_ =	swait.ge @!p0 [sflag:s0], s1  }
0x10d: {  	s1 =	ssub.s32 @!p0 $0x0, s1;
	[sflag:s0] =	ssyncset.done @!p0 $0x0  }
0x10e: {  	[sflag:s0] =	ssyncadd.s32 @!p0 s1  }
0x10f: {  	[bflag:$0x3] =	sbarrier.arrive $0xFFFF  }
0x110: {  	_ =	shalt  }

</sc_bundles>
